<compile_context>
chip_gen: v7x
topology: tpu7x:2x2x1
jax: 0.10.2.dev20260603
libtpu: 0.0.44.dev20260713+nightly
codegen_flags: <defaults>
</compile_context>

<pallas_src>
import functools

import jax
import jax.numpy as jnp
from jax import lax
from jax.experimental import pallas as pl
from jax.experimental.pallas import tpu as pltpu
from jax.experimental.pallas import tpu_sc as plsc

MOM = 0.5
C = 100
K = 8
CK = C * K
D = 256
BANK = 100000
B = 4096
MB = 512
NBLK = B // MB

NC = 2
NS = 16
NW = NC * NS
BPW = B // NW
HPW = BPW // 2


@functools.cache
def _sc_kernels():
    mesh2 = plsc.VectorSubcoreMesh(core_axis_name="c", subcore_axis_name="s",
                                   num_cores=NC, num_subcores=NS)

    @functools.partial(
        pl.kernel,
        out_type=jax.ShapeDtypeStruct((B, D), jnp.float32),
        mesh=mesh2,
        scratch_types=[
            pltpu.VMEM((BPW,), jnp.int32),
            pltpu.VMEM((BPW, D), jnp.float32),
            pltpu.SemaphoreType.DMA,
        ],
    )
    def sc_gather(bank_hbm, ids_hbm, out_hbm, idx_v, rows_v, sem):
        wid = lax.axis_index("s") * NC + lax.axis_index("c")
        base = wid * BPW
        pltpu.sync_copy(ids_hbm.at[pl.ds(base, BPW)], idx_v)
        pltpu.async_copy(bank_hbm.at[idx_v], rows_v, sem).wait()
        pltpu.sync_copy(rows_v, out_hbm.at[pl.ds(base, BPW)])

    @functools.partial(
        pl.kernel,
        out_type=jax.ShapeDtypeStruct((BANK,), jnp.int32),
        mesh=mesh2,
        scratch_types=[
            pltpu.VMEM((HPW,), jnp.int32),
            pltpu.VMEM((8,), jnp.int32),
            pltpu.VMEM((16,), jnp.int32),
            pltpu.VMEM((HPW, D), jnp.float32),
            pltpu.VMEM((BANK,), jnp.int32),
            pltpu.VMEM((B,), jnp.int32),
            pltpu.VMEM((B,), jnp.int32),
            pltpu.SemaphoreType.DMA,
        ],
        compiler_params=pltpu.CompilerParams(needs_layout_passes=False),
    )
    def sc_scatter(ids_hbm, fnew_hbm, na_hbm, assigns_hbm, bank_ref,
                   asg_out, idx64, idx8, idx16, rows_v, asg_v, ids_v, na_v,
                   sem):
        cid = lax.axis_index("c")
        sid = lax.axis_index("s")
        wid = sid * NC + cid

        @pl.when(jnp.logical_and(wid >= 1, wid <= 30))
        def _():
            base = (wid - 1) * 136
            for off, sz, idxr in ((0, HPW, idx64), (HPW, HPW, idx64),
                                  (2 * HPW, 8, idx8)):
                pltpu.sync_copy(ids_hbm.at[pl.ds(base + off, sz)], idxr)
                pltpu.sync_copy(fnew_hbm.at[pl.ds(base + off, sz)],
                                rows_v.at[pl.ds(0, sz)])
                pltpu.async_copy(rows_v.at[pl.ds(0, sz)],
                                 bank_ref.at[idxr], sem).wait()

        @pl.when(wid == 31)
        def _():
            pltpu.sync_copy(ids_hbm.at[pl.ds(30 * 136, 16)], idx16)
            pltpu.sync_copy(fnew_hbm.at[pl.ds(30 * 136, 16)],
                            rows_v.at[pl.ds(0, 16)])
            pltpu.async_copy(rows_v.at[pl.ds(0, 16)],
                             bank_ref.at[idx16], sem).wait()

        @pl.when(wid == 0)
        def _():
            pltpu.sync_copy(assigns_hbm, asg_v)
            pltpu.sync_copy(ids_hbm, ids_v)
            pltpu.sync_copy(na_hbm, na_v)

            def body(k, carry):
                for u in range(4):
                    off = (k * 4 + u) * 16
                    idx = ids_v[pl.ds(off, 16)]
                    v = na_v[pl.ds(off, 16)]
                    plsc.store_scatter(asg_v, [idx], v)
                return carry

            lax.fori_loop(0, B // 64, body, 0)
            pltpu.sync_copy(asg_v, asg_out)

    return sc_gather, sc_scatter


RB = 4000
GCOPY = BANK // RB


def _dense_body(bankin_ref, gath_ref, feat_ref, out_ref, cm_ref, tgt_ref,
                bankout_ref, fnew_ref, sim_ref, na_ref, cor_ref, los_ref):
    i = pl.program_id(0)
    bankout_ref[...] = bankin_ref[...]

    @pl.when(i < NBLK)
    def _dense():
        _dense_compute(gath_ref, feat_ref, out_ref, cm_ref, tgt_ref,
                       fnew_ref, sim_ref, na_ref, cor_ref, los_ref)


def _dense_compute(gath_ref, feat_ref, out_ref, cm_ref, tgt_ref,
                   fnew_ref, sim_ref, na_ref, cor_ref, los_ref):
    tgt = tgt_ref[0, 0, :]
    f = feat_ref[...]
    fn1 = f / jnp.maximum(jnp.sum(jnp.abs(f), axis=1, keepdims=True), 1e-12)
    fnew = (1.0 - MOM) * gath_ref[...] + MOM * fn1
    fnew = fnew / jnp.maximum(jnp.sum(jnp.abs(fnew), axis=1, keepdims=True),
                              1e-12)
    fnew_ref[...] = fnew

    sim = lax.dot_general(cm_ref[...], fnew, (((1,), (1,)), ((), ())),
                          preferred_element_type=jnp.float32)
    row_class = lax.broadcasted_iota(jnp.int32, (CK, MB), 0) // K
    mask = (row_class != tgt[None, :]).astype(jnp.float32)
    sim = sim - 10000.0 * mask
    sim_ref[...] = sim

    best = jnp.max(sim, axis=0, keepdims=True)
    ridx = lax.broadcasted_iota(jnp.int32, (CK, MB), 0)
    na = jnp.min(jnp.where(sim == best, ridx, CK), axis=0)
    na_ref[0, 0, :] = na

    o = out_ref[...]
    obest = jnp.max(o, axis=1, keepdims=True)
    cidx = lax.broadcasted_iota(jnp.int32, (MB, C), 1)
    oam = jnp.min(jnp.where(o == obest, cidx, C), axis=1)
    cor_ref[0, 0, :] = (oam == tgt).astype(jnp.int32)

    m = jnp.max(o, axis=1, keepdims=True)
    lse = jnp.log(jnp.sum(jnp.exp(o - m), axis=1)) + m[:, 0]
    pick = jnp.sum(jnp.where(cidx == tgt[:, None], o, 0.0), axis=1)
    los_ref[0, 0, :] = lse - pick


def _tc_dense(bank, gath, feature, out, cm2, tgt3, interpret=False):
    def dmap(i):
        return (jnp.minimum(i, NBLK - 1), 0)

    def dmap3(i):
        return (jnp.minimum(i, NBLK - 1), 0, 0)

    return pl.pallas_call(
        _dense_body,
        grid=(GCOPY,),
        in_specs=[
            pl.BlockSpec((RB, D), lambda i: (i, 0)),
            pl.BlockSpec((MB, D), dmap),
            pl.BlockSpec((MB, D), dmap),
            pl.BlockSpec((MB, C), dmap),
            pl.BlockSpec((CK, D), lambda i: (0, 0)),
            pl.BlockSpec((1, 1, MB), dmap3),
        ],
        out_specs=[
            pl.BlockSpec((RB, D), lambda i: (i, 0)),
            pl.BlockSpec((MB, D), dmap),
            pl.BlockSpec((CK, MB), lambda i: (0, jnp.minimum(i, NBLK - 1))),
            pl.BlockSpec((1, 1, MB), dmap3),
            pl.BlockSpec((1, 1, MB), dmap3),
            pl.BlockSpec((1, 1, MB), dmap3),
        ],
        out_shape=[
            jax.ShapeDtypeStruct((BANK, D), jnp.float32),
            jax.ShapeDtypeStruct((B, D), jnp.float32),
            jax.ShapeDtypeStruct((CK, B), jnp.float32),
            jax.ShapeDtypeStruct((NBLK, 1, MB), jnp.int32),
            jax.ShapeDtypeStruct((NBLK, 1, MB), jnp.int32),
            jax.ShapeDtypeStruct((NBLK, 1, MB), jnp.float32),
        ],
        interpret=interpret,
    )(bank, gath, feature, out, cm2, tgt3)


def kernel(feature, out, feature_bank, cluster_means, target, ids, assigns):
    cm2 = cluster_means.reshape(CK, D)
    tgt3 = target.astype(jnp.int32).reshape(NBLK, 1, MB)
    ids = ids.astype(jnp.int32)

    sc_gather, sc_scatter = _sc_kernels()
    gath = sc_gather(feature_bank, ids)
    bank_copy, fnew, sim, na3, cor3, los3 = _tc_dense(
        feature_bank, gath, feature, out, cm2, tgt3)
    na = na3.reshape(B)
    bank_ref = jax.new_ref(bank_copy)
    asg_new = sc_scatter(ids, fnew, na, assigns, bank_ref)
    bank_new = jax.freeze(bank_ref)
    return (sim, bank_new, asg_new, na, cor3.reshape(B), los3.reshape(B))

# --- scband reference (transcript-rebuilt; emitter-appended) ---
"""Pipeline reference for scband-centroids-20615843021281 (READ-ONLY COPY).

The authoritative reference and input builder live on the scoring server;
editing this copy changes nothing except your own understanding.
"""

import jax, jax.numpy as jnp
import numpy as np

MOMENTUM = 0.5
NUM_CLASSES = 100
PER_CLUSTERS = 8
FEATURE_DIM = 256
BANK_N = 100000
BATCH = 4096


def l1_normalize(x, axis=1, eps=1e-12):
    n = jnp.sum(jnp.abs(x), axis=axis, keepdims=True)
    return x / jnp.maximum(n, eps)


def setup_inputs(seed: int = 0) -> dict:
    key = jax.random.key(seed)
    ks = jax.random.split(key, 7)
    feature = jax.random.normal(ks[0], (BATCH, FEATURE_DIM), dtype=jnp.float32)
    out = jax.random.normal(ks[1], (BATCH, NUM_CLASSES), dtype=jnp.float32)
    feature_bank = jax.random.normal(ks[2], (BANK_N, FEATURE_DIM), dtype=jnp.float32)
    cluster_means = l1_normalize(jax.random.normal(ks[3], (NUM_CLASSES, PER_CLUSTERS, FEATURE_DIM), dtype=jnp.float32), axis=2)
    target = jax.random.randint(ks[4], (BATCH,), 0, NUM_CLASSES, dtype=jnp.int32)
    ids = jax.random.randint(ks[5], (BATCH,), 0, BANK_N, dtype=jnp.int32)
    assigns = jax.random.randint(ks[6], (BANK_N,), 0, NUM_CLASSES * PER_CLUSTERS, dtype=jnp.int32)
    return {"feature": feature, "out": out, "feature_bank": feature_bank, "cluster_means": cluster_means, "target": target, "ids": ids, "assigns": assigns}


def reference(feature, out, feature_bank, cluster_means, target, ids, assigns):
    # Faithful translation of Centroids.update()
    # feature_ = F.normalize(feature, 1)  (p=1, dim=1)
    feature_ = l1_normalize(feature, axis=1)
    fb_gathered = feature_bank[ids]                       # gather [B, d]
    feature_new = (1.0 - MOMENTUM) * fb_gathered + MOMENTUM * feature_
    feature_new = l1_normalize(feature_new, axis=1)
    feature_bank_new = feature_bank.at[ids].set(feature_new)   # scatter-overwrite
    # sim_score = cluster_means @ feature_new.T -> [C, K, B]
    sim_score = jnp.einsum('ykd,bd->ykb', cluster_means, feature_new)
    class_ids = jnp.arange(NUM_CLASSES, dtype=target.dtype)
    mask = (target[None, :] != class_ids[:, None]).astype(sim_score.dtype)  # [C, B]
    sim_score = sim_score - 10000.0 * mask[:, None, :]
    sim_score_ = sim_score.reshape(NUM_CLASSES * PER_CLUSTERS, -1)
    new_assigns = jnp.argmax(sim_score_, axis=0)
    assigns_new = assigns.at[ids].set(new_assigns.astype(assigns.dtype))
    corrects = (jnp.argmax(out, axis=1) == target).astype(jnp.int32)
    # CrossEntropyLoss(reduction='none')
    logp = jax.nn.log_softmax(out, axis=1)
    losses = -jnp.take_along_axis(logp, target[:, None].astype(jnp.int32), axis=1)[:, 0]
    return (sim_score_, feature_bank_new, assigns_new, new_assigns, corrects, losses)

if __name__ == "__main__":
    import jax
    _d = setup_inputs()
    print(jax.jit(kernel)(*tuple(_d.values())))

</pallas_src>

<mosaic_0001>
#map = affine_map<(d0, d1) -> (0)>
#map1 = affine_map<(d0, d1) -> (0, 0)>
module attributes {stable_mosaic.version = 14 : i64} {
  func.func @new_body(%arg0: i32, %arg1: i32, %arg2: memref<4096xi32, #tpu.memory_space<hbm>>, %arg3: memref<4096x256xf32, #tpu.memory_space<hbm>>, %arg4: memref<4096xi32, #tpu.memory_space<hbm>>, %arg5: memref<100000xi32, #tpu.memory_space<hbm>>, %arg6: memref<100000x256xf32, #tpu.memory_space<hbm>>, %arg7: memref<100000xi32, #tpu.memory_space<hbm>>, %arg8: memref<100000x256xf32, #tpu.memory_space<hbm>>, %arg9: memref<64xi32, #tpu.memory_space<vmem>>, %arg10: memref<8xi32, #tpu.memory_space<vmem>>, %arg11: memref<16xi32, #tpu.memory_space<vmem>>, %arg12: memref<64x256xf32, #tpu.memory_space<vmem>>, %arg13: memref<100000xi32, #tpu.memory_space<vmem>>, %arg14: memref<4096xi32, #tpu.memory_space<vmem>>, %arg15: memref<4096xi32, #tpu.memory_space<vmem>>, %arg16: memref<!tpu.dma_semaphore, #tpu.memory_space<semaphore_mem>>) attributes {dimension_semantics = [#tpu.dimension_semantics<core_parallel>, #tpu.dimension_semantics<subcore_parallel>], iteration_bounds = array<i64: 2, 16>, scalar_prefetch = 0 : i64, scratch_operands = 8 : i64, tpu.core_type = #tpu.core_type<sc_vector_subcore>, window_params = [{transform_indices = #map}, {transform_indices = #map1}, {transform_indices = #map}, {transform_indices = #map}, {transform_indices = #map1}, {transform_indices = #map}, {transform_indices = #map1}]} {
    %mul3A = arith.constant 2 : i32
    %mul3A_0 = arith.muli %arg1, %mul3A : i32
    %add3A = arith.addi %mul3A_0, %arg0 : i32
    %ge3A = arith.constant 1 : i32
    %ge3A_1 = arith.cmpi sge, %add3A, %ge3A : i32
    %le3A = arith.constant 30 : i32
    %le3A_2 = arith.cmpi sle, %add3A, %le3A : i32
    %and3A = arith.andi %ge3A_1, %le3A_2 : i1
    %convert_element_type3A = arith.extui %and3A : i1 to i32
    %cond3A = arith.constant 0 : i32
    %cond3A_3 = arith.cmpi ne, %convert_element_type3A, %cond3A : i32
    scf.if %cond3A_3 {
      %sub3A = arith.constant 1 : i32
      %sub3A_13 = arith.subi %add3A, %sub3A : i32
      %mul3A_14 = arith.constant 136 : i32
      %mul3A_15 = arith.muli %sub3A_13, %mul3A_14 : i32
      %add3A_16 = arith.constant 0 : i32
      %add3A_17 = arith.addi %mul3A_15, %add3A_16 : i32
      "tpu.region"() ({
        %run_scoped3A = tpu.sem_alloc : memref<!tpu.dma_semaphore, #tpu.memory_space<semaphore_mem>>
        %dma_start3A_62 = tpu.memref_slice %arg2[%add3A_17] : memref<4096xi32, #tpu.memory_space<hbm>> -> memref<64xi32, #tpu.memory_space<hbm>>
        %dma_start3A_63 = tpu.memref_slice %arg2[%add3A_17] : memref<4096xi32, #tpu.memory_space<hbm>> -> memref<64xi32, #tpu.memory_space<hbm>>
        tpu.enqueue_dma source(%dma_start3A_63 : memref<64xi32, #tpu.memory_space<hbm>>) target(%arg9 : memref<64xi32, #tpu.memory_space<vmem>>) target_semaphore(%run_scoped3A : memref<!tpu.dma_semaphore, #tpu.memory_space<semaphore_mem>>)
        %dma_wait3A_64 = tpu.memref_slice %arg2[%add3A_17] : memref<4096xi32, #tpu.memory_space<hbm>> -> memref<64xi32, #tpu.memory_space<hbm>>
        %dma_wait3A_65 = tpu.memref_slice %arg2[%add3A_17] : memref<4096xi32, #tpu.memory_space<hbm>> -> memref<64xi32, #tpu.memory_space<hbm>>
        tpu.wait_dma2 semaphore(%run_scoped3A : memref<!tpu.dma_semaphore, #tpu.memory_space<semaphore_mem>>) src(%dma_wait3A_65 : memref<64xi32, #tpu.memory_space<hbm>>) dst(%arg9 : memref<64xi32, #tpu.memory_space<vmem>>)
        tpu.yield
      }) : () -> ()
      %add3A_18 = arith.constant 0 : i32
      %add3A_19 = arith.addi %mul3A_15, %add3A_18 : i32
      "tpu.region"() ({
        %run_scoped3A = tpu.sem_alloc : memref<!tpu.dma_semaphore, #tpu.memory_space<semaphore_mem>>
        %dma_start3A_62 = arith.constant 0 : i32
        %dma_start3A_63 = arith.constant 0 : i32
        %dma_start3A_64 = tpu.memref_slice %arg12[%dma_start3A_62, %dma_start3A_63] : memref<64x256xf32, #tpu.memory_space<vmem>> -> memref<64x256xf32, #tpu.memory_space<vmem>>
        %dma_start3A_65 = arith.constant 0 : i32
        %dma_start3A_66 = tpu.memref_slice %arg3[%add3A_19, %dma_start3A_65] : memref<4096x256xf32, #tpu.memory_space<hbm>> -> memref<64x256xf32, #tpu.memory_space<hbm>>
        %dma_start3A_67 = arith.constant 0 : i32
        %dma_start3A_68 = arith.constant 0 : i32
        %dma_start3A_69 = tpu.memref_slice %arg12[%dma_start3A_67, %dma_start3A_68] : memref<64x256xf32, #tpu.memory_space<vmem>> -> memref<64x256xf32, #tpu.memory_space<vmem>>
        %dma_start3A_70 = arith.constant 0 : i32
        %dma_start3A_71 = tpu.memref_slice %arg3[%add3A_19, %dma_start3A_70] : memref<4096x256xf32, #tpu.memory_space<hbm>> -> memref<64x256xf32, #tpu.memory_space<hbm>>
        tpu.enqueue_dma source(%dma_start3A_71 : memref<64x256xf32, #tpu.memory_space<hbm>>) target(%dma_start3A_69 : memref<64x256xf32, #tpu.memory_space<vmem>>) target_semaphore(%run_scoped3A : memref<!tpu.dma_semaphore, #tpu.memory_space<semaphore_mem>>)
        %dma_wait3A_72 = arith.constant 0 : i32
        %dma_wait3A_73 = arith.constant 0 : i32
        %dma_wait3A_74 = tpu.memref_slice %arg12[%dma_wait3A_72, %dma_wait3A_73] : memref<64x256xf32, #tpu.memory_space<vmem>> -> memref<64x256xf32, #tpu.memory_space<vmem>>
        %dma_wait3A_75 = arith.constant 0 : i32
        %dma_wait3A_76 = tpu.memref_slice %arg3[%add3A_19, %dma_wait3A_75] : memref<4096x256xf32, #tpu.memory_space<hbm>> -> memref<64x256xf32, #tpu.memory_space<hbm>>
        %dma_wait3A_77 = arith.constant 0 : i32
        %dma_wait3A_78 = arith.constant 0 : i32
        %dma_wait3A_79 = tpu.memref_slice %arg12[%dma_wait3A_77, %dma_wait3A_78] : memref<64x256xf32, #tpu.memory_space<vmem>> -> memref<64x256xf32, #tpu.memory_space<vmem>>
        %dma_wait3A_80 = arith.constant 0 : i32
        %dma_wait3A_81 = tpu.memref_slice %arg3[%add3A_19, %dma_wait3A_80] : memref<4096x256xf32, #tpu.memory_space<hbm>> -> memref<64x256xf32, #tpu.memory_space<hbm>>
        tpu.wait_dma2 semaphore(%run_scoped3A : memref<!tpu.dma_semaphore, #tpu.memory_space<semaphore_mem>>) src(%dma_wait3A_81 : memref<64x256xf32, #tpu.memory_space<hbm>>) dst(%dma_wait3A_79 : memref<64x256xf32, #tpu.memory_space<vmem>>)
        tpu.yield
      }) : () -> ()
      %dma_start3A = arith.constant 0 : i32
      %dma_start3A_20 = arith.constant 0 : i32
      %dma_start3A_21 = tpu.memref_slice %arg12[%dma_start3A, %dma_start3A_20] : memref<64x256xf32, #tpu.memory_space<vmem>> -> memref<64x256xf32, #tpu.memory_space<vmem>>
      %dma_start3A_22 = arith.constant 0 : i32
      %dma_start3A_23 = arith.constant 0 : i32
      %dma_start3A_24 = tpu.memref_slice %arg6[%dma_start3A_22, %dma_start3A_23] : memref<100000x256xf32, #tpu.memory_space<hbm>> -> memref<100000x256xf32, #tpu.memory_space<hbm>>
      tpu.enqueue_indirect_dma source(%dma_start3A_21 : memref<64x256xf32, #tpu.memory_space<vmem>>) target(%dma_start3A_24 : memref<100000x256xf32, #tpu.memory_space<hbm>>) offsets(%arg9 : memref<64xi32, #tpu.memory_space<vmem>>) semaphore(%arg16 : memref<!tpu.dma_semaphore, #tpu.memory_space<semaphore_mem>>)
      %dma_wait3A = arith.constant 0 : i32
      %dma_wait3A_25 = arith.constant 0 : i32
      %dma_wait3A_26 = tpu.memref_slice %arg12[%dma_wait3A, %dma_wait3A_25] : memref<64x256xf32, #tpu.memory_space<vmem>> -> memref<64x256xf32, #tpu.memory_space<vmem>>
      %dma_wait3A_27 = arith.constant 0 : i32
      %dma_wait3A_28 = arith.constant 0 : i32
      %dma_wait3A_29 = tpu.memref_slice %arg6[%dma_wait3A_27, %dma_wait3A_28] : memref<100000x256xf32, #tpu.memory_space<hbm>> -> memref<100000x256xf32, #tpu.memory_space<hbm>>
      tpu.wait_indirect_dma semaphore(%arg16 : memref<!tpu.dma_semaphore, #tpu.memory_space<semaphore_mem>>) src(%dma_wait3A_26 : memref<64x256xf32, #tpu.memory_space<vmem>>) dst(%dma_wait3A_29 : memref<100000x256xf32, #tpu.memory_space<hbm>>)
      %add3A_30 = arith.constant 64 : i32
      %add3A_31 = arith.addi %mul3A_15, %add3A_30 : i32
      "tpu.region"() ({
        %run_scoped3A = tpu.sem_alloc : memref<!tpu.dma_semaphore, #tpu.memory_space<semaphore_mem>>
        %dma_start3A_62 = tpu.memref_slice %arg2[%add3A_31] : memref<4096xi32, #tpu.memory_space<hbm>> -> memref<64xi32, #tpu.memory_space<hbm>>
        %dma_start3A_63 = tpu.memref_slice %arg2[%add3A_31] : memref<4096xi32, #tpu.memory_space<hbm>> -> memref<64xi32, #tpu.memory_space<hbm>>
        tpu.enqueue_dma source(%dma_start3A_63 : memref<64xi32, #tpu.memory_space<hbm>>) target(%arg9 : memref<64xi32, #tpu.memory_space<vmem>>) target_semaphore(%run_scoped3A : memref<!tpu.dma_semaphore, #tpu.memory_space<semaphore_mem>>)
        %dma_wait3A_64 = tpu.memref_slice %arg2[%add3A_31] : memref<4096xi32, #tpu.memory_space<hbm>> -> memref<64xi32, #tpu.memory_space<hbm>>
        %dma_wait3A_65 = tpu.memref_slice %arg2[%add3A_31] : memref<4096xi32, #tpu.memory_space<hbm>> -> memref<64xi32, #tpu.memory_space<hbm>>
        tpu.wait_dma2 semaphore(%run_scoped3A : memref<!tpu.dma_semaphore, #tpu.memory_space<semaphore_mem>>) src(%dma_wait3A_65 : memref<64xi32, #tpu.memory_space<hbm>>) dst(%arg9 : memref<64xi32, #tpu.memory_space<vmem>>)
        tpu.yield
      }) : () -> ()
      %add3A_32 = arith.constant 64 : i32
      %add3A_33 = arith.addi %mul3A_15, %add3A_32 : i32
      "tpu.region"() ({
        %run_scoped3A = tpu.sem_alloc : memref<!tpu.dma_semaphore, #tpu.memory_space<semaphore_mem>>
        %dma_start3A_62 = arith.constant 0 : i32
        %dma_start3A_63 = arith.constant 0 : i32
        %dma_start3A_64 = tpu.memref_slice %arg12[%dma_start3A_62, %dma_start3A_63] : memref<64x256xf32, #tpu.memory_space<vmem>> -> memref<64x256xf32, #tpu.memory_space<vmem>>
        %dma_start3A_65 = arith.constant 0 : i32
        %dma_start3A_66 = tpu.memref_slice %arg3[%add3A_33, %dma_start3A_65] : memref<4096x256xf32, #tpu.memory_space<hbm>> -> memref<64x256xf32, #tpu.memory_space<hbm>>
        %dma_start3A_67 = arith.constant 0 : i32
        %dma_start3A_68 = arith.constant 0 : i32
        %dma_start3A_69 = tpu.memref_slice %arg12[%dma_start3A_67, %dma_start3A_68] : memref<64x256xf32, #tpu.memory_space<vmem>> -> memref<64x256xf32, #tpu.memory_space<vmem>>
        %dma_start3A_70 = arith.constant 0 : i32
        %dma_start3A_71 = tpu.memref_slice %arg3[%add3A_33, %dma_start3A_70] : memref<4096x256xf32, #tpu.memory_space<hbm>> -> memref<64x256xf32, #tpu.memory_space<hbm>>
        tpu.enqueue_dma source(%dma_start3A_71 : memref<64x256xf32, #tpu.memory_space<hbm>>) target(%dma_start3A_69 : memref<64x256xf32, #tpu.memory_space<vmem>>) target_semaphore(%run_scoped3A : memref<!tpu.dma_semaphore, #tpu.memory_space<semaphore_mem>>)
        %dma_wait3A_72 = arith.constant 0 : i32
        %dma_wait3A_73 = arith.constant 0 : i32
        %dma_wait3A_74 = tpu.memref_slice %arg12[%dma_wait3A_72, %dma_wait3A_73] : memref<64x256xf32, #tpu.memory_space<vmem>> -> memref<64x256xf32, #tpu.memory_space<vmem>>
        %dma_wait3A_75 = arith.constant 0 : i32
        %dma_wait3A_76 = tpu.memref_slice %arg3[%add3A_33, %dma_wait3A_75] : memref<4096x256xf32, #tpu.memory_space<hbm>> -> memref<64x256xf32, #tpu.memory_space<hbm>>
        %dma_wait3A_77 = arith.constant 0 : i32
        %dma_wait3A_78 = arith.constant 0 : i32
        %dma_wait3A_79 = tpu.memref_slice %arg12[%dma_wait3A_77, %dma_wait3A_78] : memref<64x256xf32, #tpu.memory_space<vmem>> -> memref<64x256xf32, #tpu.memory_space<vmem>>
        %dma_wait3A_80 = arith.constant 0 : i32
        %dma_wait3A_81 = tpu.memref_slice %arg3[%add3A_33, %dma_wait3A_80] : memref<4096x256xf32, #tpu.memory_space<hbm>> -> memref<64x256xf32, #tpu.memory_space<hbm>>
        tpu.wait_dma2 semaphore(%run_scoped3A : memref<!tpu.dma_semaphore, #tpu.memory_space<semaphore_mem>>) src(%dma_wait3A_81 : memref<64x256xf32, #tpu.memory_space<hbm>>) dst(%dma_wait3A_79 : memref<64x256xf32, #tpu.memory_space<vmem>>)
        tpu.yield
      }) : () -> ()
      %dma_start3A_34 = arith.constant 0 : i32
      %dma_start3A_35 = arith.constant 0 : i32
      %dma_start3A_36 = tpu.memref_slice %arg12[%dma_start3A_34, %dma_start3A_35] : memref<64x256xf32, #tpu.memory_space<vmem>> -> memref<64x256xf32, #tpu.memory_space<vmem>>
      %dma_start3A_37 = arith.constant 0 : i32
      %dma_start3A_38 = arith.constant 0 : i32
      %dma_start3A_39 = tpu.memref_slice %arg6[%dma_start3A_37, %dma_start3A_38] : memref<100000x256xf32, #tpu.memory_space<hbm>> -> memref<100000x256xf32, #tpu.memory_space<hbm>>
      tpu.enqueue_indirect_dma source(%dma_start3A_36 : memref<64x256xf32, #tpu.memory_space<vmem>>) target(%dma_start3A_39 : memref<100000x256xf32, #tpu.memory_space<hbm>>) offsets(%arg9 : memref<64xi32, #tpu.memory_space<vmem>>) semaphore(%arg16 : memref<!tpu.dma_semaphore, #tpu.memory_space<semaphore_mem>>)
      %dma_wait3A_40 = arith.constant 0 : i32
      %dma_wait3A_41 = arith.constant 0 : i32
      %dma_wait3A_42 = tpu.memref_slice %arg12[%dma_wait3A_40, %dma_wait3A_41] : memref<64x256xf32, #tpu.memory_space<vmem>> -> memref<64x256xf32, #tpu.memory_space<vmem>>
      %dma_wait3A_43 = arith.constant 0 : i32
      %dma_wait3A_44 = arith.constant 0 : i32
      %dma_wait3A_45 = tpu.memref_slice %arg6[%dma_wait3A_43, %dma_wait3A_44] : memref<100000x256xf32, #tpu.memory_space<hbm>> -> memref<100000x256xf32, #tpu.memory_space<hbm>>
      tpu.wait_indirect_dma semaphore(%arg16 : memref<!tpu.dma_semaphore, #tpu.memory_space<semaphore_mem>>) src(%dma_wait3A_42 : memref<64x256xf32, #tpu.memory_space<vmem>>) dst(%dma_wait3A_45 : memref<100000x256xf32, #tpu.memory_space<hbm>>)
      %add3A_46 = arith.constant 128 : i32
      %add3A_47 = arith.addi %mul3A_15, %add3A_46 : i32
      "tpu.region"() ({
        %run_scoped3A = tpu.sem_alloc : memref<!tpu.dma_semaphore, #tpu.memory_space<semaphore_mem>>
        %dma_start3A_62 = tpu.memref_slice %arg2[%add3A_47] : memref<4096xi32, #tpu.memory_space<hbm>> -> memref<8xi32, #tpu.memory_space<hbm>>
        %dma_start3A_63 = tpu.memref_slice %arg2[%add3A_47] : memref<4096xi32, #tpu.memory_space<hbm>> -> memref<8xi32, #tpu.memory_space<hbm>>
        tpu.enqueue_dma source(%dma_start3A_63 : memref<8xi32, #tpu.memory_space<hbm>>) target(%arg10 : memref<8xi32, #tpu.memory_space<vmem>>) target_semaphore(%run_scoped3A : memref<!tpu.dma_semaphore, #tpu.memory_space<semaphore_mem>>)
        %dma_wait3A_64 = tpu.memref_slice %arg2[%add3A_47] : memref<4096xi32, #tpu.memory_space<hbm>> -> memref<8xi32, #tpu.memory_space<hbm>>
        %dma_wait3A_65 = tpu.memref_slice %arg2[%add3A_47] : memref<4096xi32, #tpu.memory_space<hbm>> -> memref<8xi32, #tpu.memory_space<hbm>>
        tpu.wait_dma2 semaphore(%run_scoped3A : memref<!tpu.dma_semaphore, #tpu.memory_space<semaphore_mem>>) src(%dma_wait3A_65 : memref<8xi32, #tpu.memory_space<hbm>>) dst(%arg10 : memref<8xi32, #tpu.memory_space<vmem>>)
        tpu.yield
      }) : () -> ()
      %add3A_48 = arith.constant 128 : i32
      %add3A_49 = arith.addi %mul3A_15, %add3A_48 : i32
      "tpu.region"() ({
        %run_scoped3A = tpu.sem_alloc : memref<!tpu.dma_semaphore, #tpu.memory_space<semaphore_mem>>
        %dma_start3A_62 = arith.constant 0 : i32
        %dma_start3A_63 = arith.constant 0 : i32
        %dma_start3A_64 = tpu.memref_slice %arg12[%dma_start3A_62, %dma_start3A_63] : memref<64x256xf32, #tpu.memory_space<vmem>> -> memref<8x256xf32, #tpu.memory_space<vmem>>
        %dma_start3A_65 = arith.constant 0 : i32
        %dma_start3A_66 = tpu.memref_slice %arg3[%add3A_49, %dma_start3A_65] : memref<4096x256xf32, #tpu.memory_space<hbm>> -> memref<8x256xf32, #tpu.memory_space<hbm>>
        %dma_start3A_67 = arith.constant 0 : i32
        %dma_start3A_68 = arith.constant 0 : i32
        %dma_start3A_69 = tpu.memref_slice %arg12[%dma_start3A_67, %dma_start3A_68] : memref<64x256xf32, #tpu.memory_space<vmem>> -> memref<8x256xf32, #tpu.memory_space<vmem>>
        %dma_start3A_70 = arith.constant 0 : i32
        %dma_start3A_71 = tpu.memref_slice %arg3[%add3A_49, %dma_start3A_70] : memref<4096x256xf32, #tpu.memory_space<hbm>> -> memref<8x256xf32, #tpu.memory_space<hbm>>
        tpu.enqueue_dma source(%dma_start3A_71 : memref<8x256xf32, #tpu.memory_space<hbm>>) target(%dma_start3A_69 : memref<8x256xf32, #tpu.memory_space<vmem>>) target_semaphore(%run_scoped3A : memref<!tpu.dma_semaphore, #tpu.memory_space<semaphore_mem>>)
        %dma_wait3A_72 = arith.constant 0 : i32
        %dma_wait3A_73 = arith.constant 0 : i32
        %dma_wait3A_74 = tpu.memref_slice %arg12[%dma_wait3A_72, %dma_wait3A_73] : memref<64x256xf32, #tpu.memory_space<vmem>> -> memref<8x256xf32, #tpu.memory_space<vmem>>
        %dma_wait3A_75 = arith.constant 0 : i32
        %dma_wait3A_76 = tpu.memref_slice %arg3[%add3A_49, %dma_wait3A_75] : memref<4096x256xf32, #tpu.memory_space<hbm>> -> memref<8x256xf32, #tpu.memory_space<hbm>>
        %dma_wait3A_77 = arith.constant 0 : i32
        %dma_wait3A_78 = arith.constant 0 : i32
        %dma_wait3A_79 = tpu.memref_slice %arg12[%dma_wait3A_77, %dma_wait3A_78] : memref<64x256xf32, #tpu.memory_space<vmem>> -> memref<8x256xf32, #tpu.memory_space<vmem>>
        %dma_wait3A_80 = arith.constant 0 : i32
        %dma_wait3A_81 = tpu.memref_slice %arg3[%add3A_49, %dma_wait3A_80] : memref<4096x256xf32, #tpu.memory_space<hbm>> -> memref<8x256xf32, #tpu.memory_space<hbm>>
        tpu.wait_dma2 semaphore(%run_scoped3A : memref<!tpu.dma_semaphore, #tpu.memory_space<semaphore_mem>>) src(%dma_wait3A_81 : memref<8x256xf32, #tpu.memory_space<hbm>>) dst(%dma_wait3A_79 : memref<8x256xf32, #tpu.memory_space<vmem>>)
        tpu.yield
      }) : () -> ()
      %dma_start3A_50 = arith.constant 0 : i32
      %dma_start3A_51 = arith.constant 0 : i32
      %dma_start3A_52 = tpu.memref_slice %arg12[%dma_start3A_50, %dma_start3A_51] : memref<64x256xf32, #tpu.memory_space<vmem>> -> memref<8x256xf32, #tpu.memory_space<vmem>>
      %dma_start3A_53 = arith.constant 0 : i32
      %dma_start3A_54 = arith.constant 0 : i32
      %dma_start3A_55 = tpu.memref_slice %arg6[%dma_start3A_53, %dma_start3A_54] : memref<100000x256xf32, #tpu.memory_space<hbm>> -> memref<100000x256xf32, #tpu.memory_space<hbm>>
      tpu.enqueue_indirect_dma source(%dma_start3A_52 : memref<8x256xf32, #tpu.memory_space<vmem>>) target(%dma_start3A_55 : memref<100000x256xf32, #tpu.memory_space<hbm>>) offsets(%arg10 : memref<8xi32, #tpu.memory_space<vmem>>) semaphore(%arg16 : memref<!tpu.dma_semaphore, #tpu.memory_space<semaphore_mem>>)
      %dma_wait3A_56 = arith.constant 0 : i32
      %dma_wait3A_57 = arith.constant 0 : i32
      %dma_wait3A_58 = tpu.memref_slice %arg12[%dma_wait3A_56, %dma_wait3A_57] : memref<64x256xf32, #tpu.memory_space<vmem>> -> memref<8x256xf32, #tpu.memory_space<vmem>>
      %dma_wait3A_59 = arith.constant 0 : i32
      %dma_wait3A_60 = arith.constant 0 : i32
      %dma_wait3A_61 = tpu.memref_slice %arg6[%dma_wait3A_59, %dma_wait3A_60] : memref<100000x256xf32, #tpu.memory_space<hbm>> -> memref<100000x256xf32, #tpu.memory_space<hbm>>
      tpu.wait_indirect_dma semaphore(%arg16 : memref<!tpu.dma_semaphore, #tpu.memory_space<semaphore_mem>>) src(%dma_wait3A_58 : memref<8x256xf32, #tpu.memory_space<vmem>>) dst(%dma_wait3A_61 : memref<100000x256xf32, #tpu.memory_space<hbm>>)
    } else {
    }
    %eq3A = arith.constant 31 : i32
    %eq3A_4 = arith.cmpi eq, %add3A, %eq3A : i32
    %convert_element_type3A_5 = arith.extui %eq3A_4 : i1 to i32
    %cond3A_6 = arith.constant 0 : i32
    %cond3A_7 = arith.cmpi ne, %convert_element_type3A_5, %cond3A_6 : i32
    scf.if %cond3A_7 {
      "tpu.region"() ({
        %run_scoped3A = tpu.sem_alloc : memref<!tpu.dma_semaphore, #tpu.memory_space<semaphore_mem>>
        %dma_start3A_23 = arith.constant 4080 : i32
        %dma_start3A_24 = tpu.memref_slice %arg2[%dma_start3A_23] : memref<4096xi32, #tpu.memory_space<hbm>> -> memref<16xi32, #tpu.memory_space<hbm>>
        %dma_start3A_25 = arith.constant 4080 : i32
        %dma_start3A_26 = tpu.memref_slice %arg2[%dma_start3A_25] : memref<4096xi32, #tpu.memory_space<hbm>> -> memref<16xi32, #tpu.memory_space<hbm>>
        tpu.enqueue_dma source(%dma_start3A_26 : memref<16xi32, #tpu.memory_space<hbm>>) target(%arg11 : memref<16xi32, #tpu.memory_space<vmem>>) target_semaphore(%run_scoped3A : memref<!tpu.dma_semaphore, #tpu.memory_space<semaphore_mem>>)
        %dma_wait3A_27 = arith.constant 4080 : i32
        %dma_wait3A_28 = tpu.memref_slice %arg2[%dma_wait3A_27] : memref<4096xi32, #tpu.memory_space<hbm>> -> memref<16xi32, #tpu.memory_space<hbm>>
        %dma_wait3A_29 = arith.constant 4080 : i32
        %dma_wait3A_30 = tpu.memref_slice %arg2[%dma_wait3A_29] : memref<4096xi32, #tpu.memory_space<hbm>> -> memref<16xi32, #tpu.memory_space<hbm>>
        tpu.wait_dma2 semaphore(%run_scoped3A : memref<!tpu.dma_semaphore, #tpu.memory_space<semaphore_mem>>) src(%dma_wait3A_30 : memref<16xi32, #tpu.memory_space<hbm>>) dst(%arg11 : memref<16xi32, #tpu.memory_space<vmem>>)
        tpu.yield
      }) : () -> ()
      "tpu.region"() ({
        %run_scoped3A = tpu.sem_alloc : memref<!tpu.dma_semaphore, #tpu.memory_space<semaphore_mem>>
        %dma_start3A_23 = arith.constant 0 : i32
        %dma_start3A_24 = arith.constant 0 : i32
        %dma_start3A_25 = tpu.memref_slice %arg12[%dma_start3A_23, %dma_start3A_24] : memref<64x256xf32, #tpu.memory_space<vmem>> -> memref<16x256xf32, #tpu.memory_space<vmem>>
        %dma_start3A_26 = arith.constant 4080 : i32
        %dma_start3A_27 = arith.constant 0 : i32
        %dma_start3A_28 = tpu.memref_slice %arg3[%dma_start3A_26, %dma_start3A_27] : memref<4096x256xf32, #tpu.memory_space<hbm>> -> memref<16x256xf32, #tpu.memory_space<hbm>>
        %dma_start3A_29 = arith.constant 0 : i32
        %dma_start3A_30 = arith.constant 0 : i32
        %dma_start3A_31 = tpu.memref_slice %arg12[%dma_start3A_29, %dma_start3A_30] : memref<64x256xf32, #tpu.memory_space<vmem>> -> memref<16x256xf32, #tpu.memory_space<vmem>>
        %dma_start3A_32 = arith.constant 4080 : i32
        %dma_start3A_33 = arith.constant 0 : i32
        %dma_start3A_34 = tpu.memref_slice %arg3[%dma_start3A_32, %dma_start3A_33] : memref<4096x256xf32, #tpu.memory_space<hbm>> -> memref<16x256xf32, #tpu.memory_space<hbm>>
        tpu.enqueue_dma source(%dma_start3A_34 : memref<16x256xf32, #tpu.memory_space<hbm>>) target(%dma_start3A_31 : memref<16x256xf32, #tpu.memory_space<vmem>>) target_semaphore(%run_scoped3A : memref<!tpu.dma_semaphore, #tpu.memory_space<semaphore_mem>>)
        %dma_wait3A_35 = arith.constant 0 : i32
        %dma_wait3A_36 = arith.constant 0 : i32
        %dma_wait3A_37 = tpu.memref_slice %arg12[%dma_wait3A_35, %dma_wait3A_36] : memref<64x256xf32, #tpu.memory_space<vmem>> -> memref<16x256xf32, #tpu.memory_space<vmem>>
        %dma_wait3A_38 = arith.constant 4080 : i32
        %dma_wait3A_39 = arith.constant 0 : i32
        %dma_wait3A_40 = tpu.memref_slice %arg3[%dma_wait3A_38, %dma_wait3A_39] : memref<4096x256xf32, #tpu.memory_space<hbm>> -> memref<16x256xf32, #tpu.memory_space<hbm>>
        %dma_wait3A_41 = arith.constant 0 : i32
        %dma_wait3A_42 = arith.constant 0 : i32
        %dma_wait3A_43 = tpu.memref_slice %arg12[%dma_wait3A_41, %dma_wait3A_42] : memref<64x256xf32, #tpu.memory_space<vmem>> -> memref<16x256xf32, #tpu.memory_space<vmem>>
        %dma_wait3A_44 = arith.constant 4080 : i32
        %dma_wait3A_45 = arith.constant 0 : i32
        %dma_wait3A_46 = tpu.memref_slice %arg3[%dma_wait3A_44, %dma_wait3A_45] : memref<4096x256xf32, #tpu.memory_space<hbm>> -> memref<16x256xf32, #tpu.memory_space<hbm>>
        tpu.wait_dma2 semaphore(%run_scoped3A : memref<!tpu.dma_semaphore, #tpu.memory_space<semaphore_mem>>) src(%dma_wait3A_46 : memref<16x256xf32, #tpu.memory_space<hbm>>) dst(%dma_wait3A_43 : memref<16x256xf32, #tpu.memory_space<vmem>>)
        tpu.yield
      }) : () -> ()
      %dma_start3A = arith.constant 0 : i32
      %dma_start3A_13 = arith.constant 0 : i32
      %dma_start3A_14 = tpu.memref_slice %arg12[%dma_start3A, %dma_start3A_13] : memref<64x256xf32, #tpu.memory_space<vmem>> -> memref<16x256xf32, #tpu.memory_space<vmem>>
      %dma_start3A_15 = arith.constant 0 : i32
      %dma_start3A_16 = arith.constant 0 : i32
      %dma_start3A_17 = tpu.memref_slice %arg6[%dma_start3A_15, %dma_start3A_16] : memref<100000x256xf32, #tpu.memory_space<hbm>> -> memref<100000x256xf32, #tpu.memory_space<hbm>>
      tpu.enqueue_indirect_dma source(%dma_start3A_14 : memref<16x256xf32, #tpu.memory_space<vmem>>) target(%dma_start3A_17 : memref<100000x256xf32, #tpu.memory_space<hbm>>) offsets(%arg11 : memref<16xi32, #tpu.memory_space<vmem>>) semaphore(%arg16 : memref<!tpu.dma_semaphore, #tpu.memory_space<semaphore_mem>>)
      %dma_wait3A = arith.constant 0 : i32
      %dma_wait3A_18 = arith.constant 0 : i32
      %dma_wait3A_19 = tpu.memref_slice %arg12[%dma_wait3A, %dma_wait3A_18] : memref<64x256xf32, #tpu.memory_space<vmem>> -> memref<16x256xf32, #tpu.memory_space<vmem>>
      %dma_wait3A_20 = arith.constant 0 : i32
      %dma_wait3A_21 = arith.constant 0 : i32
      %dma_wait3A_22 = tpu.memref_slice %arg6[%dma_wait3A_20, %dma_wait3A_21] : memref<100000x256xf32, #tpu.memory_space<hbm>> -> memref<100000x256xf32, #tpu.memory_space<hbm>>
      tpu.wait_indirect_dma semaphore(%arg16 : memref<!tpu.dma_semaphore, #tpu.memory_space<semaphore_mem>>) src(%dma_wait3A_19 : memref<16x256xf32, #tpu.memory_space<vmem>>) dst(%dma_wait3A_22 : memref<100000x256xf32, #tpu.memory_space<hbm>>)
    } else {
    }
    %eq3A_8 = arith.constant 0 : i32
    %eq3A_9 = arith.cmpi eq, %add3A, %eq3A_8 : i32
    %convert_element_type3A_10 = arith.extui %eq3A_9 : i1 to i32
    %cond3A_11 = arith.constant 0 : i32
    %cond3A_12 = arith.cmpi ne, %convert_element_type3A_10, %cond3A_11 : i32
    scf.if %cond3A_12 {
      "tpu.region"() ({
        %run_scoped3A = tpu.sem_alloc : memref<!tpu.dma_semaphore, #tpu.memory_space<semaphore_mem>>
        tpu.enqueue_dma source(%arg5 : memref<100000xi32, #tpu.memory_space<hbm>>) target(%arg13 : memref<100000xi32, #tpu.memory_space<vmem>>) target_semaphore(%run_scoped3A : memref<!tpu.dma_semaphore, #tpu.memory_space<semaphore_mem>>)
        tpu.wait_dma2 semaphore(%run_scoped3A : memref<!tpu.dma_semaphore, #tpu.memory_space<semaphore_mem>>) src(%arg5 : memref<100000xi32, #tpu.memory_space<hbm>>) dst(%arg13 : memref<100000xi32, #tpu.memory_space<vmem>>)
        tpu.yield
      }) : () -> ()
      "tpu.region"() ({
        %run_scoped3A = tpu.sem_alloc : memref<!tpu.dma_semaphore, #tpu.memory_space<semaphore_mem>>
        tpu.enqueue_dma source(%arg2 : memref<4096xi32, #tpu.memory_space<hbm>>) target(%arg14 : memref<4096xi32, #tpu.memory_space<vmem>>) target_semaphore(%run_scoped3A : memref<!tpu.dma_semaphore, #tpu.memory_space<semaphore_mem>>)
        tpu.wait_dma2 semaphore(%run_scoped3A : memref<!tpu.dma_semaphore, #tpu.memory_space<semaphore_mem>>) src(%arg2 : memref<4096xi32, #tpu.memory_space<hbm>>) dst(%arg14 : memref<4096xi32, #tpu.memory_space<vmem>>)
        tpu.yield
      }) : () -> ()
      "tpu.region"() ({
        %run_scoped3A = tpu.sem_alloc : memref<!tpu.dma_semaphore, #tpu.memory_space<semaphore_mem>>
        tpu.enqueue_dma source(%arg4 : memref<4096xi32, #tpu.memory_space<hbm>>) target(%arg15 : memref<4096xi32, #tpu.memory_space<vmem>>) target_semaphore(%run_scoped3A : memref<!tpu.dma_semaphore, #tpu.memory_space<semaphore_mem>>)
        tpu.wait_dma2 semaphore(%run_scoped3A : memref<!tpu.dma_semaphore, #tpu.memory_space<semaphore_mem>>) src(%arg4 : memref<4096xi32, #tpu.memory_space<hbm>>) dst(%arg15 : memref<4096xi32, #tpu.memory_space<vmem>>)
        tpu.yield
      }) : () -> ()
      %scan3A = arith.constant 0 : i32
      %scan3A_13 = arith.constant 0 : i32
      %scan3A_14 = arith.constant 64 : i32
      %scan3A_15 = arith.addi %scan3A_13, %scan3A_14 : i32
      %scan3A_16 = arith.constant 1 : i32
      scf.for %scan3A_18 = %scan3A_13 to %scan3A_15 step %scan3A_16  : i32 {
        %mul3A_19 = arith.constant 4 : i32
        %mul3A_20 = arith.muli %scan3A_18, %mul3A_19 : i32
        %add3A_21 = arith.constant 0 : i32
        %add3A_22 = arith.addi %mul3A_20, %add3A_21 : i32
        %mul3A_23 = arith.constant 16 : i32
        %mul3A_24 = arith.muli %add3A_22, %mul3A_23 : i32
        %get3A = arith.index_cast %mul3A_24 : i32 to index
        %get3A_25 = tpu.vector_load %arg14[%get3A] {strides = array<i32>} : memref<4096xi32, #tpu.memory_space<vmem>>, vector<16xi32>,
        %get3A_26 = arith.index_cast %mul3A_24 : i32 to index
        %get3A_27 = tpu.vector_load %arg15[%get3A_26] {strides = array<i32>} : memref<4096xi32, #tpu.memory_space<vmem>>, vector<16xi32>,
        tpu.vector_store_idx %arg13[%get3A_25], %get3A_27 : memref<100000xi32, #tpu.memory_space<vmem>>[vector<16xi32>], vector<16xi32>,
        %mul3A_28 = arith.constant 4 : i32
        %mul3A_29 = arith.muli %scan3A_18, %mul3A_28 : i32
        %add3A_30 = arith.constant 1 : i32
        %add3A_31 = arith.addi %mul3A_29, %add3A_30 : i32
        %mul3A_32 = arith.constant 16 : i32
        %mul3A_33 = arith.muli %add3A_31, %mul3A_32 : i32
        %get3A_34 = arith.index_cast %mul3A_33 : i32 to index
        %get3A_35 = tpu.vector_load %arg14[%get3A_34] {strides = array<i32>} : memref<4096xi32, #tpu.memory_space<vmem>>, vector<16xi32>,
        %get3A_36 = arith.index_cast %mul3A_33 : i32 to index
        %get3A_37 = tpu.vector_load %arg15[%get3A_36] {strides = array<i32>} : memref<4096xi32, #tpu.memory_space<vmem>>, vector<16xi32>,
        tpu.vector_store_idx %arg13[%get3A_35], %get3A_37 : memref<100000xi32, #tpu.memory_space<vmem>>[vector<16xi32>], vector<16xi32>,
        %mul3A_38 = arith.constant 4 : i32
        %mul3A_39 = arith.muli %scan3A_18, %mul3A_38 : i32
        %add3A_40 = arith.constant 2 : i32
        %add3A_41 = arith.addi %mul3A_39, %add3A_40 : i32
        %mul3A_42 = arith.constant 16 : i32
        %mul3A_43 = arith.muli %add3A_41, %mul3A_42 : i32
        %get3A_44 = arith.index_cast %mul3A_43 : i32 to index
        %get3A_45 = tpu.vector_load %arg14[%get3A_44] {strides = array<i32>} : memref<4096xi32, #tpu.memory_space<vmem>>, vector<16xi32>,
        %get3A_46 = arith.index_cast %mul3A_43 : i32 to index
        %get3A_47 = tpu.vector_load %arg15[%get3A_46] {strides = array<i32>} : memref<4096xi32, #tpu.memory_space<vmem>>, vector<16xi32>,
        tpu.vector_store_idx %arg13[%get3A_45], %get3A_47 : memref<100000xi32, #tpu.memory_space<vmem>>[vector<16xi32>], vector<16xi32>,
        %mul3A_48 = arith.constant 4 : i32
        %mul3A_49 = arith.muli %scan3A_18, %mul3A_48 : i32
        %add3A_50 = arith.constant 3 : i32
        %add3A_51 = arith.addi %mul3A_49, %add3A_50 : i32
        %mul3A_52 = arith.constant 16 : i32
        %mul3A_53 = arith.muli %add3A_51, %mul3A_52 : i32
        %get3A_54 = arith.index_cast %mul3A_53 : i32 to index
        %get3A_55 = tpu.vector_load %arg14[%get3A_54] {strides = array<i32>} : memref<4096xi32, #tpu.memory_space<vmem>>, vector<16xi32>,
        %get3A_56 = arith.index_cast %mul3A_53 : i32 to index
        %get3A_57 = tpu.vector_load %arg15[%get3A_56] {strides = array<i32>} : memref<4096xi32, #tpu.memory_space<vmem>>, vector<16xi32>,
        tpu.vector_store_idx %arg13[%get3A_55], %get3A_57 : memref<100000xi32, #tpu.memory_space<vmem>>[vector<16xi32>], vector<16xi32>,
      }
      %scan3A_17 = arith.constant 64 : i32
      "tpu.region"() ({
        %run_scoped3A = tpu.sem_alloc : memref<!tpu.dma_semaphore, #tpu.memory_space<semaphore_mem>>
        tpu.enqueue_dma source(%arg13 : memref<100000xi32, #tpu.memory_space<vmem>>) target(%arg7 : memref<100000xi32, #tpu.memory_space<hbm>>) target_semaphore(%run_scoped3A : memref<!tpu.dma_semaphore, #tpu.memory_space<semaphore_mem>>)
        tpu.wait_dma2 semaphore(%run_scoped3A : memref<!tpu.dma_semaphore, #tpu.memory_space<semaphore_mem>>) src(%arg13 : memref<100000xi32, #tpu.memory_space<vmem>>) dst(%arg7 : memref<100000xi32, #tpu.memory_space<hbm>>)
        tpu.yield
      }) : () -> ()
    } else {
    }
    return
  }
}

#map = affine_map<(d0, d1) -> (0, 0)>
#map1 = affine_map<(d0, d1) -> (0)>
module attributes {stable_mosaic.version = 14 : i64} {
  func.func @sc_gather(%arg0: i32, %arg1: i32, %arg2: memref<100000x256xf32, #tpu.memory_space<hbm>>, %arg3: memref<4096xi32, #tpu.memory_space<hbm>>, %arg4: memref<4096x256xf32, #tpu.memory_space<hbm>>, %arg5: memref<128xi32, #tpu.memory_space<vmem>>, %arg6: memref<128x256xf32, #tpu.memory_space<vmem>>, %arg7: memref<!tpu.dma_semaphore, #tpu.memory_space<semaphore_mem>>) attributes {dimension_semantics = [#tpu.dimension_semantics<core_parallel>, #tpu.dimension_semantics<subcore_parallel>], iteration_bounds = array<i64: 2, 16>, scalar_prefetch = 0 : i64, scratch_operands = 3 : i64, tpu.core_type = #tpu.core_type<sc_vector_subcore>, window_params = [{transform_indices = #map}, {transform_indices = #map1}, {transform_indices = #map}]} {
    %mul3A = arith.constant 2 : i32
    %mul3A_0 = arith.muli %arg1, %mul3A : i32
    %add3A = arith.addi %mul3A_0, %arg0 : i32
    %mul3A_1 = arith.constant 128 : i32
    %mul3A_2 = arith.muli %add3A, %mul3A_1 : i32
    "tpu.region"() ({
      %run_scoped3A = tpu.sem_alloc : memref<!tpu.dma_semaphore, #tpu.memory_space<semaphore_mem>>
      %dma_start3A_7 = tpu.memref_slice %arg3[%mul3A_2] : memref<4096xi32, #tpu.memory_space<hbm>> -> memref<128xi32, #tpu.memory_space<hbm>>
      %dma_start3A_8 = tpu.memref_slice %arg3[%mul3A_2] : memref<4096xi32, #tpu.memory_space<hbm>> -> memref<128xi32, #tpu.memory_space<hbm>>
      tpu.enqueue_dma source(%dma_start3A_8 : memref<128xi32, #tpu.memory_space<hbm>>) target(%arg5 : memref<128xi32, #tpu.memory_space<vmem>>) target_semaphore(%run_scoped3A : memref<!tpu.dma_semaphore, #tpu.memory_space<semaphore_mem>>)
      %dma_wait3A_9 = tpu.memref_slice %arg3[%mul3A_2] : memref<4096xi32, #tpu.memory_space<hbm>> -> memref<128xi32, #tpu.memory_space<hbm>>
      %dma_wait3A_10 = tpu.memref_slice %arg3[%mul3A_2] : memref<4096xi32, #tpu.memory_space<hbm>> -> memref<128xi32, #tpu.memory_space<hbm>>
      tpu.wait_dma2 semaphore(%run_scoped3A : memref<!tpu.dma_semaphore, #tpu.memory_space<semaphore_mem>>) src(%dma_wait3A_10 : memref<128xi32, #tpu.memory_space<hbm>>) dst(%arg5 : memref<128xi32, #tpu.memory_space<vmem>>)
      tpu.yield
    }) : () -> ()
    %dma_start3A = arith.constant 0 : i32
    %dma_start3A_3 = arith.constant 0 : i32
    %dma_start3A_4 = tpu.memref_slice %arg2[%dma_start3A, %dma_start3A_3] : memref<100000x256xf32, #tpu.memory_space<hbm>> -> memref<100000x256xf32, #tpu.memory_space<hbm>>
    tpu.enqueue_indirect_dma source(%dma_start3A_4 : memref<100000x256xf32, #tpu.memory_space<hbm>>) target(%arg6 : memref<128x256xf32, #tpu.memory_space<vmem>>) offsets(%arg5 : memref<128xi32, #tpu.memory_space<vmem>>) semaphore(%arg7 : memref<!tpu.dma_semaphore, #tpu.memory_space<semaphore_mem>>)
    %dma_wait3A = arith.constant 0 : i32
    %dma_wait3A_5 = arith.constant 0 : i32
    %dma_wait3A_6 = tpu.memref_slice %arg2[%dma_wait3A, %dma_wait3A_5] : memref<100000x256xf32, #tpu.memory_space<hbm>> -> memref<100000x256xf32, #tpu.memory_space<hbm>>
    tpu.wait_indirect_dma semaphore(%arg7 : memref<!tpu.dma_semaphore, #tpu.memory_space<semaphore_mem>>) src(%dma_wait3A_6 : memref<100000x256xf32, #tpu.memory_space<hbm>>) dst(%arg6 : memref<128x256xf32, #tpu.memory_space<vmem>>)
    "tpu.region"() ({
      %run_scoped3A = tpu.sem_alloc : memref<!tpu.dma_semaphore, #tpu.memory_space<semaphore_mem>>
      %dma_start3A_7 = arith.constant 0 : i32
      %dma_start3A_8 = tpu.memref_slice %arg4[%mul3A_2, %dma_start3A_7] : memref<4096x256xf32, #tpu.memory_space<hbm>> -> memref<128x256xf32, #tpu.memory_space<hbm>>
      %dma_start3A_9 = arith.constant 0 : i32
      %dma_start3A_10 = tpu.memref_slice %arg4[%mul3A_2, %dma_start3A_9] : memref<4096x256xf32, #tpu.memory_space<hbm>> -> memref<128x256xf32, #tpu.memory_space<hbm>>
      tpu.enqueue_dma source(%arg6 : memref<128x256xf32, #tpu.memory_space<vmem>>) target(%dma_start3A_10 : memref<128x256xf32, #tpu.memory_space<hbm>>) target_semaphore(%run_scoped3A : memref<!tpu.dma_semaphore, #tpu.memory_space<semaphore_mem>>)
      %dma_wait3A_11 = arith.constant 0 : i32
      %dma_wait3A_12 = tpu.memref_slice %arg4[%mul3A_2, %dma_wait3A_11] : memref<4096x256xf32, #tpu.memory_space<hbm>> -> memref<128x256xf32, #tpu.memory_space<hbm>>
      %dma_wait3A_13 = arith.constant 0 : i32
      %dma_wait3A_14 = tpu.memref_slice %arg4[%mul3A_2, %dma_wait3A_13] : memref<4096x256xf32, #tpu.memory_space<hbm>> -> memref<128x256xf32, #tpu.memory_space<hbm>>
      tpu.wait_dma2 semaphore(%run_scoped3A : memref<!tpu.dma_semaphore, #tpu.memory_space<semaphore_mem>>) src(%arg6 : memref<128x256xf32, #tpu.memory_space<vmem>>) dst(%dma_wait3A_14 : memref<128x256xf32, #tpu.memory_space<hbm>>)
      tpu.yield
    }) : () -> ()
    return
  }
}

module attributes {stable_mosaic.version = 14 : i64} {
  func.func @_dense_body(%arg0: i32, %arg1: memref<4000x256xf32, #tpu.memory_space<vmem>>, %arg2: memref<512x256xf32, #tpu.memory_space<vmem>>, %arg3: memref<512x256xf32, #tpu.memory_space<vmem>>, %arg4: memref<512x100xf32, #tpu.memory_space<vmem>>, %arg5: memref<800x256xf32, #tpu.memory_space<vmem>>, %arg6: memref<1x1x512xi32, #tpu.memory_space<vmem>>, %arg7: memref<4000x256xf32, #tpu.memory_space<vmem>>, %arg8: memref<512x256xf32, #tpu.memory_space<vmem>>, %arg9: memref<800x512xf32, #tpu.memory_space<vmem>>, %arg10: memref<1x1x512xi32, #tpu.memory_space<vmem>>, %arg11: memref<1x1x512xi32, #tpu.memory_space<vmem>>, %arg12: memref<1x1x512xf32, #tpu.memory_space<vmem>>) attributes {dimension_semantics = [#tpu.dimension_semantics<arbitrary>], iteration_bounds = array<i64: 25>, scalar_prefetch = 0 : i64, scratch_operands = 0 : i64, tpu.core_type = #tpu.core_type<tc>, window_params = [{transform_indices = @transform_0, window_bounds = array<i64: 4000, 256>}, {transform_indices = @transform_1, window_bounds = array<i64: 512, 256>}, {transform_indices = @transform_2, window_bounds = array<i64: 512, 256>}, {transform_indices = @transform_3, window_bounds = array<i64: 512, 100>}, {pipeline_mode = #tpu.pipeline_mode<synchronous>, transform_indices = @transform_4, window_bounds = array<i64: 800, 256>}, {transform_indices = @transform_5, window_bounds = array<i64: 1, 1, 512>}, {transform_indices = @transform_6, window_bounds = array<i64: 4000, 256>}, {transform_indices = @transform_7, window_bounds = array<i64: 512, 256>}, {transform_indices = @transform_8, window_bounds = array<i64: 800, 512>}, {transform_indices = @transform_9, window_bounds = array<i64: 1, 1, 512>}, {transform_indices = @transform_10, window_bounds = array<i64: 1, 1, 512>}, {transform_indices = @transform_11, window_bounds = array<i64: 1, 1, 512>}]} {
    %get3A = arith.constant 0 : index
    %get3A_0 = arith.constant 0 : index
    %get3A_1 = vector.load %arg1[%get3A, %get3A_0] : memref<4000x256xf32, #tpu.memory_space<vmem>>, vector<4000x256xf32>
    %swap3A = arith.constant 0 : index
    %swap3A_2 = arith.constant 0 : index
    %swap3A_3 = vector.load %arg7[%swap3A, %swap3A_2] : memref<4000x256xf32, #tpu.memory_space<vmem>>, vector<4000x256xf32>
    tpu.vector_store %arg7[%swap3A, %swap3A_2], %get3A_1 {strides = array<i32>} : memref<4000x256xf32, #tpu.memory_space<vmem>>, vector<4000x256xf32>,
    %lt3A = arith.constant 8 : i32
    %lt3A_4 = arith.cmpi slt, %arg0, %lt3A : i32
    %convert_element_type3A = arith.extui %lt3A_4 : i1 to i32
    %cond3A = arith.constant 0 : i32
    %cond3A_5 = arith.cmpi ne, %convert_element_type3A, %cond3A : i32
    scf.if %cond3A_5 {
      %get3A_6 = arith.constant 0 : index
      %get3A_7 = arith.constant 0 : index
      %get3A_8 = arith.constant 0 : index
      %get3A_9 = vector.load %arg6[%get3A_6, %get3A_7, %get3A_8] : memref<1x1x512xi32, #tpu.memory_space<vmem>>, vector<1x1x512xi32>
      %get3A_10 = vector.shape_cast %get3A_9 : vector<1x1x512xi32> to vector<512xi32>
      %get3A_11 = arith.constant 0 : index
      %get3A_12 = arith.constant 0 : index
      %get3A_13 = vector.load %arg3[%get3A_11, %get3A_12] : memref<512x256xf32, #tpu.memory_space<vmem>>, vector<512x256xf32>
      %abs3A = math.absf %get3A_13 : vector<512x256xf32>
      %reduce_sum3A = arith.constant dense<0.000000e+00> : vector<512xf32>
      %reduce_sum3A_14 = vector.multi_reduction <add>, %abs3A, %reduce_sum3A [1] : vector<512x256xf32> to vector<512xf32>
      %broadcast_in_dim3A = vector.shape_cast %reduce_sum3A_14 : vector<512xf32> to vector<512x1xf32>
      %max3A = arith.constant 9.99999996E-13 : f32
      %max3A_15 = vector.broadcast %max3A : f32 to vector<512x1xf32>
      %max3A_16 = arith.maximumf %broadcast_in_dim3A, %max3A_15 : vector<512x1xf32>
      %div3A = vector.broadcast %max3A_16 : vector<512x1xf32> to vector<512x256xf32>
      %div3A_17 = arith.divf %get3A_13, %div3A : vector<512x256xf32>
      %get3A_18 = arith.constant 0 : index
      %get3A_19 = arith.constant 0 : index
      %get3A_20 = vector.load %arg2[%get3A_18, %get3A_19] : memref<512x256xf32, #tpu.memory_space<vmem>>, vector<512x256xf32>
      %mul3A = arith.constant 5.000000e-01 : f32
      %mul3A_21 = vector.broadcast %mul3A : f32 to vector<512x256xf32>
      %mul3A_22 = arith.mulf %mul3A_21, %get3A_20 : vector<512x256xf32>
      %mul3A_23 = arith.constant 5.000000e-01 : f32
      %mul3A_24 = vector.broadcast %mul3A_23 : f32 to vector<512x256xf32>
      %mul3A_25 = arith.mulf %mul3A_24, %div3A_17 : vector<512x256xf32>
      %add3A = arith.addf %mul3A_22, %mul3A_25 : vector<512x256xf32>
      %abs3A_26 = math.absf %add3A : vector<512x256xf32>
      %reduce_sum3A_27 = arith.constant dense<0.000000e+00> : vector<512xf32>
      %reduce_sum3A_28 = vector.multi_reduction <add>, %abs3A_26, %reduce_sum3A_27 [1] : vector<512x256xf32> to vector<512xf32>
      %broadcast_in_dim3A_29 = vector.shape_cast %reduce_sum3A_28 : vector<512xf32> to vector<512x1xf32>
      %max3A_30 = arith.constant 9.99999996E-13 : f32
      %max3A_31 = vector.broadcast %max3A_30 : f32 to vector<512x1xf32>
      %max3A_32 = arith.maximumf %broadcast_in_dim3A_29, %max3A_31 : vector<512x1xf32>
      %div3A_33 = vector.broadcast %max3A_32 : vector<512x1xf32> to vector<512x256xf32>
      %div3A_34 = arith.divf %add3A, %div3A_33 : vector<512x256xf32>
      %swap3A_35 = arith.constant 0 : index
      %swap3A_36 = arith.constant 0 : index
      %swap3A_37 = vector.load %arg8[%swap3A_35, %swap3A_36] : memref<512x256xf32, #tpu.memory_space<vmem>>, vector<512x256xf32>
      tpu.vector_store %arg8[%swap3A_35, %swap3A_36], %div3A_34 {strides = array<i32>} : memref<512x256xf32, #tpu.memory_space<vmem>>, vector<512x256xf32>,
      %get3A_38 = arith.constant 0 : index
      %get3A_39 = arith.constant 0 : index
      %get3A_40 = vector.load %arg5[%get3A_38, %get3A_39] : memref<800x256xf32, #tpu.memory_space<vmem>>, vector<800x256xf32>
      %dot_general3A = arith.constant dense<0.000000e+00> : vector<800x512xf32>
      %dot_general3A_41 = tpu.matmul %get3A_40, %div3A_34, %dot_general3A {dimension_numbers = #tpu.dot_dimension_numbers<[1], [1], [0], [0], [0, 0, 1, 0], [], []>, transpose_lhs_hint = false} : vector<800x256xf32>, vector<512x256xf32>, vector<800x512xf32> -> vector<800x512xf32>
      %iota3A = tpu.iota {dimensions = array<i32: 0>} : vector<800x512xi32>
      %jit3A = arith.constant 8 : i32
      %div3A_42 = vector.broadcast %jit3A : i32 to vector<800x512xi32>
      %div3A_43 = arith.divsi %iota3A, %div3A_42 : vector<800x512xi32>
      %sign3A = arith.constant 0 : i32
      %sign3A_44 = vector.broadcast %sign3A : i32 to vector<800x512xi32>
      %sign3A_45 = arith.cmpi sgt, %iota3A, %sign3A_44 : vector<800x512xi32>
      %sign3A_46 = arith.extui %sign3A_45 : vector<800x512xi1> to vector<800x512xi32>
      %sign3A_47 = arith.constant 0 : i32
      %sign3A_48 = vector.broadcast %sign3A_47 : i32 to vector<800x512xi32>
      %sign3A_49 = arith.cmpi slt, %iota3A, %sign3A_48 : vector<800x512xi32>
      %sign3A_50 = arith.extui %sign3A_49 : vector<800x512xi1> to vector<800x512xi32>
      %sign3A_51 = arith.subi %sign3A_46, %sign3A_50 : vector<800x512xi32>
      %sign3A_52 = arith.constant 0 : i32
      %sign3A_53 = arith.cmpi sgt, %jit3A, %sign3A_52 : i32
      %sign3A_54 = arith.extui %sign3A_53 : i1 to i32
      %sign3A_55 = arith.constant 0 : i32
      %sign3A_56 = arith.cmpi slt, %jit3A, %sign3A_55 : i32
      %sign3A_57 = arith.extui %sign3A_56 : i1 to i32
      %sign3A_58 = arith.subi %sign3A_54, %sign3A_57 : i32
      %ne3A = vector.broadcast %sign3A_58 : i32 to vector<800x512xi32>
      %ne3A_59 = arith.cmpi ne, %sign3A_51, %ne3A : vector<800x512xi32>
      %rem3A = vector.broadcast %jit3A : i32 to vector<800x512xi32>
      %rem3A_60 = arith.remsi %iota3A, %rem3A : vector<800x512xi32>
      %ne3A_61 = arith.constant 0 : i32
      %ne3A_62 = vector.broadcast %ne3A_61 : i32 to vector<800x512xi32>
      %ne3A_63 = arith.cmpi ne, %rem3A_60, %ne3A_62 : vector<800x512xi32>
      %and3A = arith.andi %ne3A_59, %ne3A_63 : vector<800x512xi1>
      %sub3A = arith.constant 1 : i32
      %sub3A_64 = vector.broadcast %sub3A : i32 to vector<800x512xi32>
      %sub3A_65 = arith.subi %div3A_43, %sub3A_64 : vector<800x512xi32>
      %select_n3A = arith.select %and3A, %sub3A_65, %div3A_43 : vector<800x512xi1>, vector<800x512xi32>
      %broadcast_in_dim3A_66 = vector.shape_cast %get3A_10 : vector<512xi32> to vector<1x512xi32>
      %ne3A_67 = vector.broadcast %broadcast_in_dim3A_66 : vector<1x512xi32> to vector<800x512xi32>
      %ne3A_68 = arith.cmpi ne, %select_n3A, %ne3A_67 : vector<800x512xi32>
      %convert_element_type3A_69 = arith.extui %ne3A_68 : vector<800x512xi1> to vector<800x512xi32>
      %convert_element_type3A_70 = arith.sitofp %convert_element_type3A_69 : vector<800x512xi32> to vector<800x512xf32>
      %mul3A_71 = arith.constant 1.000000e+04 : f32
      %mul3A_72 = vector.broadcast %mul3A_71 : f32 to vector<800x512xf32>
      %mul3A_73 = arith.mulf %mul3A_72, %convert_element_type3A_70 : vector<800x512xf32>
      %sub3A_74 = arith.subf %dot_general3A_41, %mul3A_73 : vector<800x512xf32>
      %swap3A_75 = arith.constant 0 : index
      %swap3A_76 = arith.constant 0 : index
      %swap3A_77 = vector.load %arg9[%swap3A_75, %swap3A_76] : memref<800x512xf32, #tpu.memory_space<vmem>>, vector<800x512xf32>
      tpu.vector_store %arg9[%swap3A_75, %swap3A_76], %sub3A_74 {strides = array<i32>} : memref<800x512xf32, #tpu.memory_space<vmem>>, vector<800x512xf32>,
      %reduce_max3A = arith.constant dense<0xFF800000> : vector<512xf32>
      %reduce_max3A_78 = vector.multi_reduction <maximumf>, %sub3A_74, %reduce_max3A [0] : vector<800x512xf32> to vector<512xf32>
      %broadcast_in_dim3A_79 = vector.shape_cast %reduce_max3A_78 : vector<512xf32> to vector<1x512xf32>
      %iota3A_80 = tpu.iota {dimensions = array<i32: 0>} : vector<800x512xi32>
      %eq3A = vector.broadcast %broadcast_in_dim3A_79 : vector<1x512xf32> to vector<800x512xf32>
      %eq3A_81 = arith.cmpf oeq, %sub3A_74, %eq3A : vector<800x512xf32>
      %jit3A_82 = arith.constant 800 : i32
      %broadcast_in_dim3A_83 = vector.broadcast %jit3A_82 : i32 to vector<800x512xi32>
      %select_n3A_84 = arith.select %eq3A_81, %iota3A_80, %broadcast_in_dim3A_83 : vector<800x512xi1>, vector<800x512xi32>
      %reduce_min3A = arith.constant dense<2147483647> : vector<512xi32>
      %reduce_min3A_85 = vector.multi_reduction <minsi>, %select_n3A_84, %reduce_min3A [0] : vector<800x512xi32> to vector<512xi32>
      %swap3A_86 = arith.constant 0 : index
      %swap3A_87 = arith.constant 0 : index
      %swap3A_88 = arith.constant 0 : index
      %swap3A_89 = vector.load %arg10[%swap3A_86, %swap3A_87, %swap3A_88] : memref<1x1x512xi32, #tpu.memory_space<vmem>>, vector<1x1x512xi32>
      %swap3A_90 = vector.shape_cast %swap3A_89 : vector<1x1x512xi32> to vector<512xi32>
      %swap3A_91 = vector.shape_cast %reduce_min3A_85 : vector<512xi32> to vector<1x1x512xi32>
      tpu.vector_store %arg10[%swap3A_86, %swap3A_87, %swap3A_88], %swap3A_91 {strides = array<i32>} : memref<1x1x512xi32, #tpu.memory_space<vmem>>, vector<1x1x512xi32>,
      %get3A_92 = arith.constant 0 : index
      %get3A_93 = arith.constant 0 : index
      %get3A_94 = vector.load %arg4[%get3A_92, %get3A_93] : memref<512x100xf32, #tpu.memory_space<vmem>>, vector<512x100xf32>
      %reduce_max3A_95 = arith.constant dense<0xFF800000> : vector<512xf32>
      %reduce_max3A_96 = vector.multi_reduction <maximumf>, %get3A_94, %reduce_max3A_95 [1] : vector<512x100xf32> to vector<512xf32>
      %broadcast_in_dim3A_97 = vector.shape_cast %reduce_max3A_96 : vector<512xf32> to vector<512x1xf32>
      %iota3A_98 = tpu.iota {dimensions = array<i32: 1>} : vector<512x100xi32>
      %eq3A_99 = vector.broadcast %broadcast_in_dim3A_97 : vector<512x1xf32> to vector<512x100xf32>
      %eq3A_100 = arith.cmpf oeq, %get3A_94, %eq3A_99 : vector<512x100xf32>
      %jit3A_101 = arith.constant 100 : i32
      %broadcast_in_dim3A_102 = vector.broadcast %jit3A_101 : i32 to vector<512x100xi32>
      %select_n3A_103 = arith.select %eq3A_100, %iota3A_98, %broadcast_in_dim3A_102 : vector<512x100xi1>, vector<512x100xi32>
      %reduce_min3A_104 = arith.constant dense<2147483647> : vector<512xi32>
      %reduce_min3A_105 = vector.multi_reduction <minsi>, %select_n3A_103, %reduce_min3A_104 [1] : vector<512x100xi32> to vector<512xi32>
      %eq3A_106 = arith.cmpi eq, %reduce_min3A_105, %get3A_10 : vector<512xi32>
      %convert_element_type3A_107 = arith.extui %eq3A_106 : vector<512xi1> to vector<512xi32>
      %swap3A_108 = arith.constant 0 : index
      %swap3A_109 = arith.constant 0 : index
      %swap3A_110 = arith.constant 0 : index
      %swap3A_111 = vector.load %arg11[%swap3A_108, %swap3A_109, %swap3A_110] : memref<1x1x512xi32, #tpu.memory_space<vmem>>, vector<1x1x512xi32>
      %swap3A_112 = vector.shape_cast %swap3A_111 : vector<1x1x512xi32> to vector<512xi32>
      %swap3A_113 = vector.shape_cast %convert_element_type3A_107 : vector<512xi32> to vector<1x1x512xi32>
      tpu.vector_store %arg11[%swap3A_108, %swap3A_109, %swap3A_110], %swap3A_113 {strides = array<i32>} : memref<1x1x512xi32, #tpu.memory_space<vmem>>, vector<1x1x512xi32>,
      %reduce_max3A_114 = arith.constant dense<0xFF800000> : vector<512xf32>
      %reduce_max3A_115 = vector.multi_reduction <maximumf>, %get3A_94, %reduce_max3A_114 [1] : vector<512x100xf32> to vector<512xf32>
      %broadcast_in_dim3A_116 = vector.shape_cast %reduce_max3A_115 : vector<512xf32> to vector<512x1xf32>
      %sub3A_117 = vector.broadcast %broadcast_in_dim3A_116 : vector<512x1xf32> to vector<512x100xf32>
      %sub3A_118 = arith.subf %get3A_94, %sub3A_117 : vector<512x100xf32>
      %exp3A = math.exp %sub3A_118 : vector<512x100xf32>
      %reduce_sum3A_119 = arith.constant dense<0.000000e+00> : vector<512xf32>
      %reduce_sum3A_120 = vector.multi_reduction <add>, %exp3A, %reduce_sum3A_119 [1] : vector<512x100xf32> to vector<512xf32>
      %log3A = math.log %reduce_sum3A_120 : vector<512xf32>
      %squeeze3A = vector.shape_cast %broadcast_in_dim3A_116 : vector<512x1xf32> to vector<512xf32>
      %add3A_121 = arith.addf %log3A, %squeeze3A : vector<512xf32>
      %broadcast_in_dim3A_122 = vector.shape_cast %get3A_10 : vector<512xi32> to vector<512x1xi32>
      %eq3A_123 = vector.broadcast %broadcast_in_dim3A_122 : vector<512x1xi32> to vector<512x100xi32>
      %eq3A_124 = arith.cmpi eq, %iota3A_98, %eq3A_123 : vector<512x100xi32>
      %jit3A_125 = arith.constant 0.000000e+00 : f32
      %broadcast_in_dim3A_126 = vector.broadcast %jit3A_125 : f32 to vector<512x100xf32>
      %select_n3A_127 = arith.select %eq3A_124, %get3A_94, %broadcast_in_dim3A_126 : vector<512x100xi1>, vector<512x100xf32>
      %reduce_sum3A_128 = arith.constant dense<0.000000e+00> : vector<512xf32>
      %reduce_sum3A_129 = vector.multi_reduction <add>, %select_n3A_127, %reduce_sum3A_128 [1] : vector<512x100xf32> to vector<512xf32>
      %sub3A_130 = arith.subf %add3A_121, %reduce_sum3A_129 : vector<512xf32>
      %swap3A_131 = arith.constant 0 : index
      %swap3A_132 = arith.constant 0 : index
      %swap3A_133 = arith.constant 0 : index
      %swap3A_134 = vector.load %arg12[%swap3A_131, %swap3A_132, %swap3A_133] : memref<1x1x512xf32, #tpu.memory_space<vmem>>, vector<1x1x512xf32>
      %swap3A_135 = vector.shape_cast %swap3A_134 : vector<1x1x512xf32> to vector<512xf32>
      %swap3A_136 = vector.shape_cast %sub3A_130 : vector<512xf32> to vector<1x1x512xf32>
      tpu.vector_store %arg12[%swap3A_131, %swap3A_132, %swap3A_133], %swap3A_136 {strides = array<i32>} : memref<1x1x512xf32, #tpu.memory_space<vmem>>, vector<1x1x512xf32>,
    } else {
    }
    return
  }
  func.func @transform_0(%arg0: i32) -> (i32, i32) {
    %c0_i32 = arith.constant 0 : i32
    %c0_i32_0 = arith.constant 0 : i32
    return %arg0, %c0_i32 : i32, i32
  }
  func.func @transform_1(%arg0: i32) -> (i32, i32) {
    %min3A = arith.constant 7 : i32
    %min3A_0 = arith.minsi %arg0, %min3A : i32
    %c0_i32 = arith.constant 0 : i32
    %c0_i32_1 = arith.constant 0 : i32
    return %min3A_0, %c0_i32 : i32, i32
  }
  func.func @transform_2(%arg0: i32) -> (i32, i32) {
    %min3A = arith.constant 7 : i32
    %min3A_0 = arith.minsi %arg0, %min3A : i32
    %c0_i32 = arith.constant 0 : i32
    %c0_i32_1 = arith.constant 0 : i32
    return %min3A_0, %c0_i32 : i32, i32
  }
  func.func @transform_3(%arg0: i32) -> (i32, i32) {
    %min3A = arith.constant 7 : i32
    %min3A_0 = arith.minsi %arg0, %min3A : i32
    %c0_i32 = arith.constant 0 : i32
    %c0_i32_1 = arith.constant 0 : i32
    return %min3A_0, %c0_i32 : i32, i32
  }
  func.func @transform_4(%arg0: i32) -> (i32, i32) {
    %c0_i32 = arith.constant 0 : i32
    %c0_i32_0 = arith.constant 0 : i32
    %c0_i32_1 = arith.constant 0 : i32
    return %c0_i32, %c0_i32_0 : i32, i32
  }
  func.func @transform_5(%arg0: i32) -> (i32, i32, i32) {
    %min3A = arith.constant 7 : i32
    %min3A_0 = arith.minsi %arg0, %min3A : i32
    %c0_i32 = arith.constant 0 : i32
    %c0_i32_1 = arith.constant 0 : i32
    %c0_i32_2 = arith.constant 0 : i32
    return %min3A_0, %c0_i32, %c0_i32_1 : i32, i32, i32
  }
  func.func @transform_6(%arg0: i32) -> (i32, i32) {
    %c0_i32 = arith.constant 0 : i32
    %c0_i32_0 = arith.constant 0 : i32
    return %arg0, %c0_i32 : i32, i32
  }
  func.func @transform_7(%arg0: i32) -> (i32, i32) {
    %min3A = arith.constant 7 : i32
    %min3A_0 = arith.minsi %arg0, %min3A : i32
    %c0_i32 = arith.constant 0 : i32
    %c0_i32_1 = arith.constant 0 : i32
    return %min3A_0, %c0_i32 : i32, i32
  }
  func.func @transform_8(%arg0: i32) -> (i32, i32) {
    %min3A = arith.constant 7 : i32
    %min3A_0 = arith.minsi %arg0, %min3A : i32
    %c0_i32 = arith.constant 0 : i32
    %c0_i32_1 = arith.constant 0 : i32
    return %c0_i32, %min3A_0 : i32, i32
  }
  func.func @transform_9(%arg0: i32) -> (i32, i32, i32) {
    %min3A = arith.constant 7 : i32
    %min3A_0 = arith.minsi %arg0, %min3A : i32
    %c0_i32 = arith.constant 0 : i32
    %c0_i32_1 = arith.constant 0 : i32
    %c0_i32_2 = arith.constant 0 : i32
    return %min3A_0, %c0_i32, %c0_i32_1 : i32, i32, i32
  }
  func.func @transform_10(%arg0: i32) -> (i32, i32, i32) {
    %min3A = arith.constant 7 : i32
    %min3A_0 = arith.minsi %arg0, %min3A : i32
    %c0_i32 = arith.constant 0 : i32
    %c0_i32_1 = arith.constant 0 : i32
    %c0_i32_2 = arith.constant 0 : i32
    return %min3A_0, %c0_i32, %c0_i32_1 : i32, i32, i32
  }
  func.func @transform_11(%arg0: i32) -> (i32, i32, i32) {
    %min3A = arith.constant 7 : i32
    %min3A_0 = arith.minsi %arg0, %min3A : i32
    %c0_i32 = arith.constant 0 : i32
    %c0_i32_1 = arith.constant 0 : i32
    %c0_i32_2 = arith.constant 0 : i32
    return %min3A_0, %c0_i32, %c0_i32_1 : i32, i32, i32
  }
}

</mosaic_0001>

<sc_bundles>
// kernel: kernel.5.cloned.1.call-start
scs
__scs_entry_jumppad:
0x0: {  	(pc) =	sbr.rel $0x88, $3  }
0x1: {  	(tag) =	ssettag $0x0;
	lr =	simm.s32 $0x1  }
0x2: {  	[smem:$0x3F9A] =	sst lr;
	_ =	strace $0xD0000000  }
0x3: {  	_ = 	snop  }
0x4: {  	_ = 	snop  }
0x5: {  	_ = 	snop  }
0x6: {  	_ = 	snop  }
0x7: {  	_ = 	snop  }
__scs_overlays_trampoline_lowered:
0x8: {  	[smem:$0x3FA9] =	sst s0  }
0x9: {  	[smem:$0x3FAA] =	sst s1  }
0xa: {  	[smem:$0x3FAB] =	sst s2  }
0xb: {  	[smem:$0x3FAC] =	sst s3  }
0xc: {  	[smem:$0x3FAD] =	sst s4  }
0xd: {  	[smem:$0x3FAE] =	sst s5  }
0xe: {  	[smem:$0x3FAF] =	sst s6  }
0xf: {  	[smem:$0x3FB0] =	sst s7  }
0x10: {  	[smem:$0x3FB1] =	sst s8  }
0x11: {  	[smem:$0x3FB2] =	sst s9;
	s0 =	simm.s32 @!p0 $0x0  }
0x12: {  	s1 =	sld [smem:$0x3F98];
	s0 =	simm.s32 @p0 $0x1  }
0x13: {  	[smem:$0x3FB3] =	sst s0;
	s0 =	simm.s32 @!p1 $0x0  }
0x14: {  	s2 =	sld [smem:$0x3F97];
	s0 =	simm.s32 @p1 $0x1  }
0x15: {  	[smem:$0x3FB4] =	sst s0;
	s0 =	simm.s32 @!p2 $0x0  }
0x16: {  	s3 =	sld [smem:$0x3FDB];
	s0 =	simm.s32 @p2 $0x1  }
0x17: {  	s4 =	simm.s32 $0x1BF5;
	[smem:$0x3FB6] =	sst s0  }
0x18: {  	s0 =	sld [smem:$0x3F99];
	_ =	swait.ge [sflag:s4], $0x0  }
0x19: {  	s7 =	sld [smem:$0x3F9A]  }
0x1a: {  	s8 =	sadd.s32 $0xFFFFE003, lr  }
0x1b: {  	s9 =	sadd.s32 $0xFFFFFEF7, lr;
	s5 =	simm.s32 $0xFFFFFFFF;
	p2 =	slt.u32 s8, $0xFFFFF086  }
0x1c: {  	p1 =	slt.u32 s9, $0xF7A;
	s5 =	simm.s32 @!p2 $0x0  }
0x1d: {  	s5 =	simm.s32 @p1 $0x1;
	p0 =	seq.s32 s7, s2  }
0x1e: {  	s7 =	smul.u32 @!p0 $0xF7A, s2;
	p2 =	seq.s32 @!p0 s5, $0x0  }
0x1f: {  	s9 =	smul.u32 $0xF7A, s1;
	s8 =	simm.s32 @!p0 $0x1BF5;
	p2 =	por !p2, p0  }
0x20: {  	[sflag:s8] =	ssyncset.s32 @!p0 $0xFFFFF086;
	s6 =	sadd.s32 @!p0 s3, s7;
	s7 =	simm.s32 @!p0 $0x108  }
0x21: {  	s3 =	sadd.s32 s3, s9;
	s6 =	sadd.s32 @!p0 $0x88, s6;
	s7 =	simm.s32 @p2 $0x1082  }
0x22: {  	[simem:s7], [sflag:s8] =	dma.local @!p0 [hbm:s6], $0xF7A  }
0x23: {  	s9 =	sor.u32 $0xD0000000, s2;
	s6 =	simm.s32 $0x108;
	_ =	swait.ge @!p0 [sflag:s8], $0x0  }
0x24: {  	s3 =	sadd.s32 $0x88, s3;
	s6 =	simm.s32 @!p1 $0x1082;
	[sflag:s4] =	ssyncset.s32 $0xFFFFF086  }
0x25: {  	[simem:s6], [sflag:s4] =	dma.local [hbm:s3], $0xF7A  }
0x26: {  	[smem:$0x3F9A] =	sst s1;
	(tag) =	ssettag s2;
	_ =	strace s9  }
0x27: {  	s1 =	sld [smem:$0x3FAA]  }
0x28: {  	s2 =	sld [smem:$0x3FAB]  }
0x29: {  	s4 =	sld [smem:$0x3FAD]  }
0x2a: {  	p0 =	seq.s32 s5, $0x0;
	s5 =	sld [smem:$0x3FAE]  }
0x2b: {  	s6 =	sld [smem:$0x3FAF]  }
0x2c: {  	s7 =	sld [smem:$0x3FB0]  }
0x2d: {  	s3 =	simm.s32 $0x108;
	s8 =	sld [smem:$0x3FB1]  }
0x2e: {  	s3 =	simm.s32 @!p0 $0x1082;
	s9 =	sld [smem:$0x3FB2]  }
0x2f: {  	lr =	sadd.s32 s0, s3;
	s0 =	sld [smem:$0x3FA9]  }
0x30: {  	s3 =	sld [smem:$0x3FAC]  }
0x31: {  	[smem:$0x3FB5] =	sst s10  }
0x32: {  	s10 =	sld [smem:$0x3FB3];
	_ =	sdelay $0x3  }
0x33: {  	p0 =	seq.s32 s10, $0x1;
	s10 =	sld [smem:$0x3FB5];
	_ =	sdelay $0x3  }
0x34: {  	[smem:$0x3FB5] =	sst s10  }
0x35: {  	s10 =	sld [smem:$0x3FB4];
	_ =	sdelay $0x3  }
0x36: {  	p1 =	seq.s32 s10, $0x1;
	s10 =	sld [smem:$0x3FB5];
	_ =	sdelay $0x3  }
0x37: {  	[smem:$0x3FB5] =	sst s10  }
0x38: {  	s10 =	sld [smem:$0x3FB6]  }
0x39: {  	_ = 	snop;
	(pc) =	sbr.ind lr, $3  }
0x3a: {  	_ = 	snop  }
0x3b: {  	_ = 	snop  }
0x3c: {  	p2 =	seq.s32 s10, $0x1;
	s10 =	sld [smem:$0x3FB5]  }
0x3d: {  	_ =	shalt  }
0x3e: {  	_ =	shalt  }
0x3f: {  	_ =	shalt  }
0x40: {  	_ =	shalt  }
0x41: {  	_ =	shalt  }
0x42: {  	_ =	shalt  }
0x43: {  	_ =	shalt  }
0x44: {  	_ =	shalt  }
0x45: {  	_ =	shalt  }
0x46: {  	_ =	shalt  }
0x47: {  	_ =	shalt  }
0x48: {  	_ =	shalt  }
0x49: {  	_ =	shalt  }
0x4a: {  	_ =	shalt  }
0x4b: {  	_ =	shalt  }
0x4c: {  	_ =	shalt  }
0x4d: {  	_ =	shalt  }
0x4e: {  	_ =	shalt  }
0x4f: {  	_ =	shalt  }
0x50: {  	_ =	shalt  }
0x51: {  	_ =	shalt  }
0x52: {  	_ =	shalt  }
0x53: {  	_ =	shalt  }
0x54: {  	_ =	shalt  }
0x55: {  	_ =	shalt  }
0x56: {  	_ =	shalt  }
0x57: {  	_ =	shalt  }
0x58: {  	_ =	shalt  }
0x59: {  	_ =	shalt  }
0x5a: {  	_ =	shalt  }
0x5b: {  	_ =	shalt  }
0x5c: {  	_ =	shalt  }
0x5d: {  	_ =	shalt  }
0x5e: {  	_ =	shalt  }
0x5f: {  	_ =	shalt  }
0x60: {  	_ =	shalt  }
0x61: {  	_ =	shalt  }
0x62: {  	_ =	shalt  }
0x63: {  	_ =	shalt  }
0x64: {  	_ =	shalt  }
0x65: {  	_ =	shalt  }
0x66: {  	_ =	shalt  }
0x67: {  	_ =	shalt  }
0x68: {  	_ =	shalt  }
0x69: {  	_ =	shalt  }
0x6a: {  	_ =	shalt  }
0x6b: {  	_ =	shalt  }
0x6c: {  	_ =	shalt  }
0x6d: {  	_ =	shalt  }
0x6e: {  	_ =	shalt  }
0x6f: {  	_ =	shalt  }
0x70: {  	_ =	shalt  }
0x71: {  	_ =	shalt  }
0x72: {  	_ =	shalt  }
0x73: {  	_ =	shalt  }
0x74: {  	_ =	shalt  }
0x75: {  	_ =	shalt  }
0x76: {  	_ =	shalt  }
0x77: {  	_ =	shalt  }
0x78: {  	_ =	shalt  }
0x79: {  	_ =	shalt  }
0x7a: {  	_ =	shalt  }
0x7b: {  	_ =	shalt  }
0x7c: {  	_ =	shalt  }
0x7d: {  	_ =	shalt  }
0x7e: {  	_ =	shalt  }
0x7f: {  	_ =	shalt  }
0x80: {  	_ =	shalt  }
0x81: {  	_ =	shalt  }
0x82: {  	_ =	shalt  }
0x83: {  	_ =	shalt  }
0x84: {  	_ =	shalt  }
0x85: {  	_ =	shalt  }
0x86: {  	_ =	shalt  }
0x87: {  	_ =	shalt  }
.Lfunc_end0:
.L_simem_size_0:
called_computation_lowered:
.L_overlay_start_0:
0x88: {  	s2 =	sld [smem:$0x3FD9]  }
0x89: {  	s3 =	sld [smem:$0x3FFE];
	_ =	sdelay $0x1  }
0x8a: {  	s1 =	srdreg.scid  }
0x8b: {  	s0 =	sand.u32 $0x1, s1  }
0x8c: {  	s15 =	sshll.u32 s0, $0xA;
	s2 =	sadd.s32 s3, s2  }
0x8d: {  	s2 =	sadd.s32 s2, s15  }
0x8e: {  	[smem:$0x3FC1] =	sst s2  }
0x8f: {  	_ = 	snop  }
0x90: {  	s2 =	sld [smem:$0x3FD0];
	_ =	sdelay $0x1  }
0x91: {  	s16 =	sld [smem:$0x3FC7]  }
0x92: {  	s5 =	simm.s32 $0xA;
	s6 =	simm.s32 $0x10;
	s4 =	sld [smem:$0x3FC4]  }
0x93: {  	[smem:s6], [sflag:s5] =	dma.local [hbm:s2], $0x1  }
0x94: {  	_ =	swait.eq [sflag:s5], $0x1  }
0x95: {  	[sflag:s5] =	ssyncset.done $0x0  }
0x96: {  	[sflag:s5] =	ssyncadd.s32 $0xFFFFFFFF  }
0x97: {  	s17 =	sld [smem:$0x10];
	(tm) =	ssettm $0x1  }
0x98: {  	s18 =	sld [smem:$0x3FFB];
	_ =	sdelay $0x3  }
0x99: {  	_ =	strace s18  }
0x9a: {  	s5 =	sld [smem:$0x3FFC];
	_ =	sdelay $0x3  }
0x9b: {  	_ =	strace s5  }
0x9c: {  	s5 =	sld [smem:$0x3FFD];
	_ =	sdelay $0x3  }
0x9d: {  	_ =	strace s5  }
0x9e: {  	_ =	strace $0x8FFFFFFF  }
0x9f: {  	s19 =	sld [smem:$0x3FDB];
	_ =	sdelay $0x1  }
0xa0: {  	s20 =	simm.s32 $_scs_section_size  }
0xa1: {  	s7 =	simm.s32 $_size__tile_overlayer_lowered;
	s8 =	simm.s32 $_tile_overlayer_lowered  }
0xa2: {  	s23 =	simm.s32 $0x1BFF;
	s22 =	sshll.u32 s8, $0x1;
	s5 =	sadd.s32 s20, s19  }
0xa3: {  	s9 =	simm.s32 $0x0;
	s21 =	sshll.u32 s7, $0x1;
	s7 =	sadd.s32 s22, s5  }
0xa4: {  	[timem:s9], [sflag:s23] =	dma.local [hbm:s7], s21  }
0xa5: {  	_ =	swait.ge [sflag:s23], s21  }
0xa6: {  	s6 =	ssub.s32 $0x0, s21;
	[sflag:s23] =	ssyncset.done $0x0  }
0xa7: {  	[sflag:s23] =	ssyncadd.s32 s6;
	_ =	sdelay $0x1  }
0xa8: {  	s24 =	simm.s32 $0x1B8B  }
0xa9: {  	_ =	swait.ge [sflag:s24], $0x1  }
0xaa: {  	[sflag:s24] =	ssyncset.done $0x0  }
0xab: {  	s25 =	simm.s32 $0x1B8E;
	[sflag:s24] =	ssyncadd.s32 $0xFFFFFFFF  }
0xac: {  	s26 =	simm.s32 $execute0_lowered;
	[smem:$0x3FD2] =	sst s25  }
0xad: {  	s6 =	sshll.u32 s26, $0x1;
	_ =	strace $0x80000046;
	[dreg:$0x1] =	wrdreg $0xFFFFFFFF  }
0xae: {  	s28 =	simm.s32 $_size_execute0_lowered;
	s5 =	sadd.s32 s5, s6;
	[dreg:$0x0] =	wrdreg $0x0  }
0xaf: {  	s6 =	sshll.u32 s28, $0x1;
	[dreg:$0x2] =	wrdreg s5  }
0xb0: {  	[dreg:$0x3] =	wrdreg s6  }
0xb1: {  	[dreg:$0x4] =	wrdreg $0xC0  }
0xb2: {  	_ =	task [dreg:s9], $0x5FFFF  }
0xb3: {  	[dreg:$0x1] =	wrdreg $0xFFFFFFFF  }
0xb4: {  	[dreg:$0x0] =	wrdreg $0x60  }
0xb5: {  	[dreg:$0x2] =	wrdreg s16  }
0xb6: {  	[dreg:$0x3] =	wrdreg s4  }
0xb7: {  	[dreg:$0x4] =	wrdreg s17  }
0xb8: {  	[dreg:$0x5] =	wrdreg $0x9  }
0xb9: {  	_ =	task.clear_ibuf [dreg:s9], $0x6FFFF;
	_ =	strace $0x90000046  }
0xba: {  	s29 =	simm.s32 $0x9;
	_ =	strace $0x80000048  }
0xbb: {  	_ =	swait.ge [sflag:s29], $0x1  }
0xbc: {  	[sflag:s29] =	ssyncadd.s32 $0xFFFFFFFF  }
0xbd: {  	_ =	strace $0x90000048  }
0xbe: {  	_ =	sfence  }
0xbf: {  	s30 =	sld [smem:$0x0];
	_ =	sdelay $0x2  }
0xc0: {  	s31 =	sshll.u32 s1, $0xD;
	s1 =	sshrl.u32 s1, $0x2  }
0xc1: {  	s3 =	sand.u32 $0x4000, s31;
	s1 =	sadd.s32 s1, s30  }
0xc2: {  	s0 =	sor.u32 s3, s0;
	s1 =	sshll.u32 s1, $0x11  }
0xc3: {  	s0 =	sor.u32 s1, s0  }
0xc4: {  	s0 =	sadd.s32 $0x8F2B, s0  }
0xc5: {  	[sflag:s0] =	ssyncadd.remote.s32 $0x1  }
0xc6: {  	_ =	sfence.sel $0xFFFF  }
0xc7: {  	[dreg:$0x0] =	wrdreg $0xFFFFFFFF;
	(pc) =	sbr.abs _section_cstart, $3  }
0xc8: {  	[dreg:$0x1] =	wrdreg $0xFFFFFFFF  }
0xc9: {  	_ =	task.clear_ibuf [dreg:s9], $0x2FFFF;
	_ =	strace $0x9FFFFFFF  }
0xca: {  	(tm) =	ssettm $0x7FFFFFFF  }
0xcb: {  	_ =	shalt  }
tec
execute0_lowered:
.L_overlay_start_1:
0x0: {  	(tag) =	ssettag $0x1  }
0x1: {  	s1 =	rddreg [dreg:$0x0]  }
0x2: {  	s4 =	rddreg [dreg:$0x1]  }
0x3: {  	s5 =	rddreg [dreg:$0x2]  }
0x4: {  	s0 =	rddreg [dreg:$0x3];
	s3 =	simm.s32 $0x0;
	s6 =	srdreg.scid  }
0x5: {  	s2 =	stileid.u32;
	s10 =	simm.s32 $0x1080;
	s11 =	simm.s32 $0x1880  }
0x6: {  	s12 =	simm.s32 $0x2080;
	s13 =	simm.s32 $0x2880;
	s14 =	simm.s32 $0x3080  }
0x7: {  	s15 =	simm.s32 $0x3880;
	s16 =	simm.s32 $0x4080;
	s17 =	simm.s32 $0x4880  }
0x8: {  	s18 =	simm.s32 $0x5080;
	s19 =	simm.s32 $0x5880;
	s20 =	simm.s32 $0x6080  }
0x9: {  	s21 =	simm.s32 $0x6880;
	s22 =	simm.s32 $0x7080;
	s23 =	simm.s32 $0x7880  }
0xa: {  	s24 =	simm.s32 $0x1;
	[smem:$0x7FF] =	sst s3;
	s6 =	sand.u32 $0x1, s6  }
0xb: {  	s8 =	sshll.u32 s2, $0x8;
	s7 =	ssub.s32 $0x2, s6;
	s6 =	sshll.u32 s6, $0x7  }
0xc: {  	_ =	strace $0x80000047;
	s9 =	sshrl.u32 s7, $0x1;
	s6 =	sor.u32 s6, s8  }
0xd: {  	v2 =	vlaneseq.u32;
	s7 =	ssub.s32 s7, s9;
	s8 =	sshrl.u32 s6, $0x3;
	s6 =	sshll.u32 s6, $0x5  }
0xe: {  	vm0 =	vmmov $0xffff;
	v1 =	vshrl.u32 v2, $0x3;
	s9 =	simm.s32 $0x880;
	s4 =	sadd.s32 s4, s8;
	s5 =	sadd.s32 s5, s6  }
0xf: {  	v0 =	vand.u32 $0x7, v2;
	v2 =	vor.u32 $0x8, v2;
	v1 =	vmul.u32 $0x8, v1;
	s6 =	smax.u32 s7, $0x1;
	s7 =	simm.s32 $0x2;
	s8 =	simm.s32 $0x80  }
.LBB2_1:
0x10: {  	[tilespmem:s3], [sflag:$0x2] =	stream.linear.gather [hbm4b:s4+s3], $0x80, $0x38;
	[tilespmem:$0x8080] =	vst v63  }
0x11: {  	_ =	swait.ge [sflag:s7], $0x80  }
0x12: {  	[sflag:s7] =	ssyncset.done $0x0  }
0x13: {  	[sflag:s7] =	ssyncadd.s32 $0xFFFFFF80  }
0x14: {  	v3 =	vld [tilespmem:$0x0];
	_ =	sdelay $0x4  }
0x15: {  	v4 =	vshll.u32 v3, $0x1  }
0x16: {  	v3 =	vand.u32 $0x7, v3;
	v4 =	vand.u32 $0xFFFFFFF0, v4  }
0x17: {  	v3 =	vor.u32 v3, v4  }
0x18: {  	v4 =	vperm.xlane v3, v0;
	_ =	sdelay $0x1  }
0x19: {  	v3 =	vperm.xlane v3, v2;
	v4 =	vadd.s32 v1, v4;
	_ =	sdelay $0x1  }
0x1a: {  	v3 =	vadd.s32 v1, v3;
	_ =	sdelay $0x2  }
0x1b: {  	[tilespmem:s8], [sflag:$0x1] =	stream.indirect_vreg.gather [hbm4b:s1+s3], $0x80, v4, vm0, $0xb8;
	[tilespmem:$0x8080] =	vst v63  }
0x1c: {  	_ = 	snop  }
0x1d: {  	[tilespmem:s9], [sflag:$0x1] =	stream.indirect_vreg.gather [hbm4b:s1+s3], $0x80, v3, vm0, $0xb8;
	[tilespmem:$0x8080] =	vst v63  }
0x1e: {  	v3 =	vld [tilespmem:$0x10];
	_ =	sdelay $0x4  }
0x1f: {  	v57 =	vshll.u32 v3, $0x1  }
0x20: {  	v3 =	vand.u32 $0x7, v3;
	v4 =	vand.u32 $0xFFFFFFF0, v57  }
0x21: {  	v3 =	vor.u32 v3, v4  }
0x22: {  	v4 =	vperm.xlane v3, v0;
	_ =	sdelay $0x1  }
0x23: {  	v3 =	vperm.xlane v3, v2;
	v4 =	vadd.s32 v1, v4;
	_ =	sdelay $0x1  }
0x24: {  	v3 =	vadd.s32 v1, v3;
	_ =	sdelay $0x2  }
0x25: {  	[tilespmem:s10], [sflag:$0x1] =	stream.indirect_vreg.gather [hbm4b:s1+s3], $0x80, v4, vm0, $0xb8;
	[tilespmem:$0x8080] =	vst v63  }
0x26: {  	_ = 	snop  }
0x27: {  	[tilespmem:s11], [sflag:$0x1] =	stream.indirect_vreg.gather [hbm4b:s1+s3], $0x80, v3, vm0, $0xb8;
	[tilespmem:$0x8080] =	vst v63  }
0x28: {  	v3 =	vld [tilespmem:$0x20];
	_ =	sdelay $0x4  }
0x29: {  	v58 =	vshll.u32 v3, $0x1  }
0x2a: {  	v3 =	vand.u32 $0x7, v3;
	v4 =	vand.u32 $0xFFFFFFF0, v58  }
0x2b: {  	v3 =	vor.u32 v3, v4  }
0x2c: {  	v4 =	vperm.xlane v3, v0;
	_ =	sdelay $0x1  }
0x2d: {  	v3 =	vperm.xlane v3, v2;
	v4 =	vadd.s32 v1, v4;
	_ =	sdelay $0x1  }
0x2e: {  	v3 =	vadd.s32 v1, v3;
	_ =	sdelay $0x2  }
0x2f: {  	[tilespmem:s12], [sflag:$0x1] =	stream.indirect_vreg.gather [hbm4b:s1+s3], $0x80, v4, vm0, $0xb8;
	[tilespmem:$0x8080] =	vst v63  }
0x30: {  	_ = 	snop  }
0x31: {  	[tilespmem:s13], [sflag:$0x1] =	stream.indirect_vreg.gather [hbm4b:s1+s3], $0x80, v3, vm0, $0xb8;
	[tilespmem:$0x8080] =	vst v63  }
0x32: {  	v3 =	vld [tilespmem:$0x30];
	_ =	sdelay $0x4  }
0x33: {  	v59 =	vshll.u32 v3, $0x1  }
0x34: {  	v3 =	vand.u32 $0x7, v3;
	v4 =	vand.u32 $0xFFFFFFF0, v59  }
0x35: {  	v3 =	vor.u32 v3, v4  }
0x36: {  	v4 =	vperm.xlane v3, v0;
	_ =	sdelay $0x1  }
0x37: {  	v3 =	vperm.xlane v3, v2;
	v4 =	vadd.s32 v1, v4;
	_ =	sdelay $0x1  }
0x38: {  	v3 =	vadd.s32 v1, v3;
	_ =	sdelay $0x2  }
0x39: {  	[tilespmem:s14], [sflag:$0x1] =	stream.indirect_vreg.gather [hbm4b:s1+s3], $0x80, v4, vm0, $0xb8;
	[tilespmem:$0x8080] =	vst v63  }
0x3a: {  	_ = 	snop  }
0x3b: {  	[tilespmem:s15], [sflag:$0x1] =	stream.indirect_vreg.gather [hbm4b:s1+s3], $0x80, v3, vm0, $0xb8;
	[tilespmem:$0x8080] =	vst v63  }
0x3c: {  	v3 =	vld [tilespmem:$0x40];
	_ =	sdelay $0x4  }
0x3d: {  	v60 =	vshll.u32 v3, $0x1  }
0x3e: {  	v3 =	vand.u32 $0x7, v3;
	v4 =	vand.u32 $0xFFFFFFF0, v60  }
0x3f: {  	v3 =	vor.u32 v3, v4  }
0x40: {  	v4 =	vperm.xlane v3, v0;
	_ =	sdelay $0x1  }
0x41: {  	v3 =	vperm.xlane v3, v2;
	v4 =	vadd.s32 v1, v4;
	_ =	sdelay $0x1  }
0x42: {  	v3 =	vadd.s32 v1, v3;
	_ =	sdelay $0x2  }
0x43: {  	[tilespmem:s16], [sflag:$0x1] =	stream.indirect_vreg.gather [hbm4b:s1+s3], $0x80, v4, vm0, $0xb8;
	[tilespmem:$0x8080] =	vst v63  }
0x44: {  	_ = 	snop  }
0x45: {  	[tilespmem:s17], [sflag:$0x1] =	stream.indirect_vreg.gather [hbm4b:s1+s3], $0x80, v3, vm0, $0xb8;
	[tilespmem:$0x8080] =	vst v63  }
0x46: {  	v3 =	vld [tilespmem:$0x50];
	_ =	sdelay $0x4  }
0x47: {  	v61 =	vshll.u32 v3, $0x1  }
0x48: {  	v3 =	vand.u32 $0x7, v3;
	v4 =	vand.u32 $0xFFFFFFF0, v61  }
0x49: {  	v3 =	vor.u32 v3, v4  }
0x4a: {  	v4 =	vperm.xlane v3, v0;
	_ =	sdelay $0x1  }
0x4b: {  	v3 =	vperm.xlane v3, v2;
	v4 =	vadd.s32 v1, v4;
	_ =	sdelay $0x1  }
0x4c: {  	v3 =	vadd.s32 v1, v3;
	_ =	sdelay $0x2  }
0x4d: {  	[tilespmem:s18], [sflag:$0x1] =	stream.indirect_vreg.gather [hbm4b:s1+s3], $0x80, v4, vm0, $0xb8;
	[tilespmem:$0x8080] =	vst v63  }
0x4e: {  	_ = 	snop  }
0x4f: {  	[tilespmem:s19], [sflag:$0x1] =	stream.indirect_vreg.gather [hbm4b:s1+s3], $0x80, v3, vm0, $0xb8;
	[tilespmem:$0x8080] =	vst v63  }
0x50: {  	v3 =	vld [tilespmem:$0x60];
	_ =	sdelay $0x4  }
0x51: {  	v62 =	vshll.u32 v3, $0x1  }
0x52: {  	v3 =	vand.u32 $0x7, v3;
	v4 =	vand.u32 $0xFFFFFFF0, v62  }
0x53: {  	v3 =	vor.u32 v3, v4  }
0x54: {  	v4 =	vperm.xlane v3, v0;
	_ =	sdelay $0x1  }
0x55: {  	v3 =	vperm.xlane v3, v2;
	v4 =	vadd.s32 v1, v4;
	_ =	sdelay $0x1  }
0x56: {  	v3 =	vadd.s32 v1, v3;
	_ =	sdelay $0x2  }
0x57: {  	[tilespmem:s20], [sflag:$0x1] =	stream.indirect_vreg.gather [hbm4b:s1+s3], $0x80, v4, vm0, $0xb8;
	[tilespmem:$0x8080] =	vst v63  }
0x58: {  	_ = 	snop  }
0x59: {  	[tilespmem:s21], [sflag:$0x1] =	stream.indirect_vreg.gather [hbm4b:s1+s3], $0x80, v3, vm0, $0xb8;
	[tilespmem:$0x8080] =	vst v63  }
0x5a: {  	v3 =	vld [tilespmem:$0x70];
	_ =	sdelay $0x4  }
0x5b: {  	v63 =	vshll.u32 v3, $0x1  }
0x5c: {  	v3 =	vand.u32 $0x7, v3;
	v4 =	vand.u32 $0xFFFFFFF0, v63  }
0x5d: {  	v3 =	vor.u32 v3, v4  }
0x5e: {  	v4 =	vperm.xlane v3, v0;
	_ =	sdelay $0x1  }
0x5f: {  	v3 =	vperm.xlane v3, v2;
	v4 =	vadd.s32 v1, v4;
	_ =	sdelay $0x1  }
0x60: {  	v3 =	vadd.s32 v1, v3;
	_ =	sdelay $0x2  }
0x61: {  	[tilespmem:s22], [sflag:$0x1] =	stream.indirect_vreg.gather [hbm4b:s1+s3], $0x80, v4, vm0, $0xb8;
	[tilespmem:$0x8080] =	vst v63  }
0x62: {  	_ = 	snop  }
0x63: {  	[tilespmem:s23], [sflag:$0x1] =	stream.indirect_vreg.gather [hbm4b:s1+s3], $0x80, v3, vm0, $0xb8;
	[tilespmem:$0x8080] =	vst v63  }
0x64: {  	_ =	swait.ge [sflag:s24], $0x8000  }
0x65: {  	p0 =	sne.s32 s6, $0x1;
	[sflag:s24] =	ssyncset.done $0x0  }
.Ltmp0:
0x66: {  	[sflag:s24] =	ssyncadd.s32 $0xFFFF8000;
	(pc) =	sbr.rel @p0 .LBB2_1-.Ltmp0, $4  }
0x67: {  	[hbm4b:s5+s3] =	stream.linear.scatter [tilespmem:s8], [sflag:$0x2], $0x8000, $0x38;
	[tilespmem:$0x8080] =	vst v63  }
0x68: {  	_ =	swait.ge [sflag:s7], $0x8000  }
0x69: {  	[sflag:s7] =	ssyncset.done $0x0  }
0x6a: {  	s6 =	sadd.s32 $0xFFFFFFFF, s6;
	[sflag:s7] =	ssyncadd.s32 $0xFFFF8000  }
0x6b: {  	_ =	sfence.sel $0x180000  }
0x6c: {  	[bflag:$0x0] =	sbarrier.arrive $0xFFFF  }
0x6d: {  	p0 =	sne.s32 s2, $0x0;
	_ =	strace $0x90000047  }
0x6e: {  	s0 =	sadd.s32 @!p0 $0x100000, s0;
	[bflag:$0x2] =	sbarrier.arrive $0xFFFF  }
0x6f: {  	[sflag:s0] =	ssyncadd.tile.s32 @!p0 $0x1;
	_ =	shalt  }
.Lfunc_end2:
_tile_overlayer_lowered:
.L_overlay_start_2:
0x70: {  	(tag) =	ssettag $0x2  }
0x71: {  	s0 =	rddreg [dreg:$0x0];
	s2 =	stileid.u32  }
0x72: {  	s1 =	rddreg [dreg:$0x1];
	p0 =	sne.s32 s2, $0x0  }
0x73: {  	s3 =	rddreg [dreg:$0x2];
	[bflag:$0x3] =	sbarrier.arrive $0xFFFF;
	s2 =	simm.s32 @!p0 $0x1C02  }
0x74: {  	[timem:s3], [sflag:s2] =	dma.local @!p0 [hbm:s0], s1  }
0x75: {  	s0 =	simm.s32 @!p0 $0x2  }
0x76: {  	_ =	swait.ge @!p0 [sflag:s0], s1  }
0x77: {  	s1 =	ssub.s32 @!p0 $0x0, s1;
	[sflag:s0] =	ssyncset.done @!p0 $0x0  }
0x78: {  	[sflag:s0] =	ssyncadd.s32 @!p0 s1  }
0x79: {  	[bflag:$0x3] =	sbarrier.arrive $0xFFFF  }
0x7a: {  	_ =	shalt  }

// kernel: kernel.8.cloned.1.call-start
scs
__scs_entry_jumppad:
0x0: {  	(pc) =	sbr.rel $0x88, $3  }
0x1: {  	(tag) =	ssettag $0x0;
	lr =	simm.s32 $0x1  }
0x2: {  	[smem:$0x3F9A] =	sst lr;
	_ =	strace $0xD0000000  }
0x3: {  	_ = 	snop  }
0x4: {  	_ = 	snop  }
0x5: {  	_ = 	snop  }
0x6: {  	_ = 	snop  }
0x7: {  	_ = 	snop  }
__scs_overlays_trampoline_lowered:
0x8: {  	[smem:$0x3FA9] =	sst s0  }
0x9: {  	[smem:$0x3FAA] =	sst s1  }
0xa: {  	[smem:$0x3FAB] =	sst s2  }
0xb: {  	[smem:$0x3FAC] =	sst s3  }
0xc: {  	[smem:$0x3FAD] =	sst s4  }
0xd: {  	[smem:$0x3FAE] =	sst s5  }
0xe: {  	[smem:$0x3FAF] =	sst s6  }
0xf: {  	[smem:$0x3FB0] =	sst s7  }
0x10: {  	[smem:$0x3FB1] =	sst s8  }
0x11: {  	[smem:$0x3FB2] =	sst s9;
	s0 =	simm.s32 @!p0 $0x0  }
0x12: {  	s1 =	sld [smem:$0x3F98];
	s0 =	simm.s32 @p0 $0x1  }
0x13: {  	[smem:$0x3FB3] =	sst s0;
	s0 =	simm.s32 @!p1 $0x0  }
0x14: {  	s2 =	sld [smem:$0x3F97];
	s0 =	simm.s32 @p1 $0x1  }
0x15: {  	[smem:$0x3FB4] =	sst s0;
	s0 =	simm.s32 @!p2 $0x0  }
0x16: {  	s3 =	sld [smem:$0x3FDB];
	s0 =	simm.s32 @p2 $0x1  }
0x17: {  	s4 =	simm.s32 $0x1BF5;
	[smem:$0x3FB6] =	sst s0  }
0x18: {  	s0 =	sld [smem:$0x3F99];
	_ =	swait.ge [sflag:s4], $0x0  }
0x19: {  	s7 =	sld [smem:$0x3F9A]  }
0x1a: {  	s8 =	sadd.s32 $0xFFFFE003, lr  }
0x1b: {  	s9 =	sadd.s32 $0xFFFFFEF7, lr;
	s5 =	simm.s32 $0xFFFFFFFF;
	p2 =	slt.u32 s8, $0xFFFFF086  }
0x1c: {  	p1 =	slt.u32 s9, $0xF7A;
	s5 =	simm.s32 @!p2 $0x0  }
0x1d: {  	s5 =	simm.s32 @p1 $0x1;
	p0 =	seq.s32 s7, s2  }
0x1e: {  	s7 =	smul.u32 @!p0 $0xF7A, s2;
	p2 =	seq.s32 @!p0 s5, $0x0  }
0x1f: {  	s9 =	smul.u32 $0xF7A, s1;
	s8 =	simm.s32 @!p0 $0x1BF5;
	p2 =	por !p2, p0  }
0x20: {  	[sflag:s8] =	ssyncset.s32 @!p0 $0xFFFFF086;
	s6 =	sadd.s32 @!p0 s3, s7;
	s7 =	simm.s32 @!p0 $0x108  }
0x21: {  	s3 =	sadd.s32 s3, s9;
	s6 =	sadd.s32 @!p0 $0x88, s6;
	s7 =	simm.s32 @p2 $0x1082  }
0x22: {  	[simem:s7], [sflag:s8] =	dma.local @!p0 [hbm:s6], $0xF7A  }
0x23: {  	s9 =	sor.u32 $0xD0000000, s2;
	s6 =	simm.s32 $0x108;
	_ =	swait.ge @!p0 [sflag:s8], $0x0  }
0x24: {  	s3 =	sadd.s32 $0x88, s3;
	s6 =	simm.s32 @!p1 $0x1082;
	[sflag:s4] =	ssyncset.s32 $0xFFFFF086  }
0x25: {  	[simem:s6], [sflag:s4] =	dma.local [hbm:s3], $0xF7A  }
0x26: {  	[smem:$0x3F9A] =	sst s1;
	(tag) =	ssettag s2;
	_ =	strace s9  }
0x27: {  	s1 =	sld [smem:$0x3FAA]  }
0x28: {  	s2 =	sld [smem:$0x3FAB]  }
0x29: {  	s4 =	sld [smem:$0x3FAD]  }
0x2a: {  	p0 =	seq.s32 s5, $0x0;
	s5 =	sld [smem:$0x3FAE]  }
0x2b: {  	s6 =	sld [smem:$0x3FAF]  }
0x2c: {  	s7 =	sld [smem:$0x3FB0]  }
0x2d: {  	s3 =	simm.s32 $0x108;
	s8 =	sld [smem:$0x3FB1]  }
0x2e: {  	s3 =	simm.s32 @!p0 $0x1082;
	s9 =	sld [smem:$0x3FB2]  }
0x2f: {  	lr =	sadd.s32 s0, s3;
	s0 =	sld [smem:$0x3FA9]  }
0x30: {  	s3 =	sld [smem:$0x3FAC]  }
0x31: {  	[smem:$0x3FB5] =	sst s10  }
0x32: {  	s10 =	sld [smem:$0x3FB3];
	_ =	sdelay $0x3  }
0x33: {  	p0 =	seq.s32 s10, $0x1;
	s10 =	sld [smem:$0x3FB5];
	_ =	sdelay $0x3  }
0x34: {  	[smem:$0x3FB5] =	sst s10  }
0x35: {  	s10 =	sld [smem:$0x3FB4];
	_ =	sdelay $0x3  }
0x36: {  	p1 =	seq.s32 s10, $0x1;
	s10 =	sld [smem:$0x3FB5];
	_ =	sdelay $0x3  }
0x37: {  	[smem:$0x3FB5] =	sst s10  }
0x38: {  	s10 =	sld [smem:$0x3FB6]  }
0x39: {  	_ = 	snop;
	(pc) =	sbr.ind lr, $3  }
0x3a: {  	_ = 	snop  }
0x3b: {  	_ = 	snop  }
0x3c: {  	p2 =	seq.s32 s10, $0x1;
	s10 =	sld [smem:$0x3FB5]  }
0x3d: {  	_ =	shalt  }
0x3e: {  	_ =	shalt  }
0x3f: {  	_ =	shalt  }
0x40: {  	_ =	shalt  }
0x41: {  	_ =	shalt  }
0x42: {  	_ =	shalt  }
0x43: {  	_ =	shalt  }
0x44: {  	_ =	shalt  }
0x45: {  	_ =	shalt  }
0x46: {  	_ =	shalt  }
0x47: {  	_ =	shalt  }
0x48: {  	_ =	shalt  }
0x49: {  	_ =	shalt  }
0x4a: {  	_ =	shalt  }
0x4b: {  	_ =	shalt  }
0x4c: {  	_ =	shalt  }
0x4d: {  	_ =	shalt  }
0x4e: {  	_ =	shalt  }
0x4f: {  	_ =	shalt  }
0x50: {  	_ =	shalt  }
0x51: {  	_ =	shalt  }
0x52: {  	_ =	shalt  }
0x53: {  	_ =	shalt  }
0x54: {  	_ =	shalt  }
0x55: {  	_ =	shalt  }
0x56: {  	_ =	shalt  }
0x57: {  	_ =	shalt  }
0x58: {  	_ =	shalt  }
0x59: {  	_ =	shalt  }
0x5a: {  	_ =	shalt  }
0x5b: {  	_ =	shalt  }
0x5c: {  	_ =	shalt  }
0x5d: {  	_ =	shalt  }
0x5e: {  	_ =	shalt  }
0x5f: {  	_ =	shalt  }
0x60: {  	_ =	shalt  }
0x61: {  	_ =	shalt  }
0x62: {  	_ =	shalt  }
0x63: {  	_ =	shalt  }
0x64: {  	_ =	shalt  }
0x65: {  	_ =	shalt  }
0x66: {  	_ =	shalt  }
0x67: {  	_ =	shalt  }
0x68: {  	_ =	shalt  }
0x69: {  	_ =	shalt  }
0x6a: {  	_ =	shalt  }
0x6b: {  	_ =	shalt  }
0x6c: {  	_ =	shalt  }
0x6d: {  	_ =	shalt  }
0x6e: {  	_ =	shalt  }
0x6f: {  	_ =	shalt  }
0x70: {  	_ =	shalt  }
0x71: {  	_ =	shalt  }
0x72: {  	_ =	shalt  }
0x73: {  	_ =	shalt  }
0x74: {  	_ =	shalt  }
0x75: {  	_ =	shalt  }
0x76: {  	_ =	shalt  }
0x77: {  	_ =	shalt  }
0x78: {  	_ =	shalt  }
0x79: {  	_ =	shalt  }
0x7a: {  	_ =	shalt  }
0x7b: {  	_ =	shalt  }
0x7c: {  	_ =	shalt  }
0x7d: {  	_ =	shalt  }
0x7e: {  	_ =	shalt  }
0x7f: {  	_ =	shalt  }
0x80: {  	_ =	shalt  }
0x81: {  	_ =	shalt  }
0x82: {  	_ =	shalt  }
0x83: {  	_ =	shalt  }
0x84: {  	_ =	shalt  }
0x85: {  	_ =	shalt  }
0x86: {  	_ =	shalt  }
0x87: {  	_ =	shalt  }
.Lfunc_end0:
.L_simem_size_0:
called_computation.1_lowered:
.L_overlay_start_0:
0x88: {  	s2 =	sld [smem:$0x3FD9]  }
0x89: {  	s3 =	sld [smem:$0x3FFE];
	_ =	sdelay $0x1  }
0x8a: {  	s1 =	srdreg.scid  }
0x8b: {  	s0 =	sand.u32 $0x1, s1  }
0x8c: {  	s14 =	sshll.u32 s0, $0xA;
	s2 =	sadd.s32 s3, s2  }
0x8d: {  	s2 =	sadd.s32 s2, s14  }
0x8e: {  	[smem:$0x3FC1] =	sst s2  }
0x8f: {  	_ = 	snop  }
0x90: {  	s2 =	sld [smem:$0x3FD0];
	_ =	sdelay $0x1  }
0x91: {  	s15 =	sld [smem:$0x3FC4]  }
0x92: {  	s5 =	simm.s32 $0xA;
	s6 =	simm.s32 $0x10;
	s4 =	sld [smem:$0x3FC3]  }
0x93: {  	[smem:s6], [sflag:s5] =	dma.local [hbm:s2], $0x1  }
0x94: {  	_ =	swait.eq [sflag:s5], $0x1  }
0x95: {  	s16 =	sld [smem:$0x11];
	[sflag:s5] =	ssyncset.done $0x0  }
0x96: {  	s17 =	sld [smem:$0x12];
	[sflag:s5] =	ssyncadd.s32 $0xFFFFFFFF  }
0x97: {  	s18 =	sld [smem:$0x13];
	(tm) =	ssettm $0x1  }
0x98: {  	s7 =	sld [smem:$0x3FFB];
	_ =	sdelay $0x3  }
0x99: {  	_ =	strace s7  }
0x9a: {  	s7 =	sld [smem:$0x3FFC];
	_ =	sdelay $0x3  }
0x9b: {  	_ =	strace s7  }
0x9c: {  	s7 =	sld [smem:$0x3FFD];
	_ =	sdelay $0x3  }
0x9d: {  	_ =	strace s7  }
0x9e: {  	_ =	strace $0x8FFFFFFF  }
0x9f: {  	s19 =	sld [smem:$0x3FDB];
	_ =	sdelay $0x1  }
0xa0: {  	s8 =	simm.s32 $_scs_section_size  }
0xa1: {  	s9 =	simm.s32 $_size__tile_overlayer_lowered;
	s10 =	simm.s32 $_tile_overlayer_lowered  }
0xa2: {  	s22 =	simm.s32 $0x1BFF;
	s21 =	sshll.u32 s10, $0x1;
	s7 =	sadd.s32 s8, s19  }
0xa3: {  	s11 =	simm.s32 $0x0;
	s20 =	sshll.u32 s9, $0x1;
	s9 =	sadd.s32 s21, s7  }
0xa4: {  	[timem:s11], [sflag:s22] =	dma.local [hbm:s9], s20  }
0xa5: {  	_ =	swait.ge [sflag:s22], s20  }
0xa6: {  	s8 =	ssub.s32 $0x0, s20;
	[sflag:s22] =	ssyncset.done $0x0  }
0xa7: {  	[sflag:s22] =	ssyncadd.s32 s8;
	_ =	sdelay $0x1  }
0xa8: {  	s23 =	simm.s32 $0x1B8B  }
0xa9: {  	_ =	swait.ge [sflag:s23], $0x1  }
0xaa: {  	[sflag:s23] =	ssyncset.done $0x0  }
0xab: {  	s25 =	simm.s32 $0x1B8E;
	s24 =	sld [smem:$0x3FFE];
	[sflag:s23] =	ssyncadd.s32 $0xFFFFFFFF  }
0xac: {  	s26 =	simm.s32 $execute0_lowered;
	[smem:$0x3FD2] =	sst s25  }
0xad: {  	s9 =	sshll.u32 s26, $0x1;
	_ =	strace $0x80000049;
	[dreg:$0x1] =	wrdreg $0xFFFFFFFF  }
0xae: {  	s28 =	simm.s32 $_size_execute0_lowered;
	s7 =	sadd.s32 s7, s9;
	[dreg:$0x0] =	wrdreg $0x0  }
0xaf: {  	s9 =	sshll.u32 s28, $0x1;
	[dreg:$0x2] =	wrdreg s7  }
0xb0: {  	[dreg:$0x3] =	wrdreg s9  }
0xb1: {  	[dreg:$0x4] =	wrdreg $0xC0  }
0xb2: {  	_ =	task [dreg:s11], $0x5FFFF  }
0xb3: {  	[dreg:$0x1] =	wrdreg $0xFFFFFFFF  }
0xb4: {  	[dreg:$0x0] =	wrdreg $0x60  }
0xb5: {  	[dreg:$0x2] =	wrdreg s15  }
0xb6: {  	[dreg:$0x3] =	wrdreg s24  }
0xb7: {  	[dreg:$0x4] =	wrdreg s18  }
0xb8: {  	[dreg:$0x5] =	wrdreg s4  }
0xb9: {  	[dreg:$0x6] =	wrdreg s16  }
0xba: {  	[dreg:$0x7] =	wrdreg s17  }
0xbb: {  	[dreg:$0x8] =	wrdreg $0x9  }
0xbc: {  	_ =	task.clear_ibuf [dreg:s11], $0x9FFFF;
	_ =	strace $0x90000049  }
0xbd: {  	s29 =	simm.s32 $0x9;
	_ =	strace $0x8000004B  }
0xbe: {  	_ =	swait.ge [sflag:s29], $0x1  }
0xbf: {  	[sflag:s29] =	ssyncadd.s32 $0xFFFFFFFF  }
0xc0: {  	_ =	strace $0x9000004B  }
0xc1: {  	_ =	sfence  }
0xc2: {  	s30 =	sld [smem:$0x0];
	_ =	sdelay $0x2  }
0xc3: {  	s31 =	sshll.u32 s1, $0xD;
	s1 =	sshrl.u32 s1, $0x2  }
0xc4: {  	s3 =	sand.u32 $0x4000, s31;
	s1 =	sadd.s32 s1, s30  }
0xc5: {  	s0 =	sor.u32 s3, s0;
	s1 =	sshll.u32 s1, $0x11  }
0xc6: {  	s0 =	sor.u32 s1, s0  }
0xc7: {  	s0 =	sadd.s32 $0x8F2B, s0  }
0xc8: {  	[sflag:s0] =	ssyncadd.remote.s32 $0x1  }
0xc9: {  	_ =	sfence.sel $0xFFFF  }
0xca: {  	[dreg:$0x0] =	wrdreg $0xFFFFFFFF;
	(pc) =	sbr.abs _section_cstart, $3  }
0xcb: {  	[dreg:$0x1] =	wrdreg $0xFFFFFFFF  }
0xcc: {  	_ =	task.clear_ibuf [dreg:s11], $0x2FFFF;
	_ =	strace $0x9FFFFFFF  }
0xcd: {  	(tm) =	ssettm $0x7FFFFFFF  }
tec
execute0_lowered:
.L_overlay_start_1:
0x0: {  	(tag) =	ssettag $0x1  }
0x1: {  	s0 =	rddreg [dreg:$0x0]  }
0x2: {  	s1 =	rddreg [dreg:$0x1]  }
0x3: {  	s5 =	rddreg [dreg:$0x4];
	s4 =	srdreg.scid  }
0x4: {  	s2 =	stileid.u32;
	s6 =	rddreg [dreg:$0x5];
	s7 =	simm.s32 $0x0  }
0x5: {  	s18 =	simm.s32 $0x180;
	s19 =	simm.s32 $0x980;
	s20 =	simm.s32 $0x1180  }
0x6: {  	s21 =	simm.s32 $0x1980;
	s22 =	simm.s32 $0x2180;
	s23 =	simm.s32 $0x2980  }
0x7: {  	s28 =	simm.s32 $0x80;
	s29 =	simm.s32 $0x4180;
	s30 =	simm.s32 $0x1C880  }
0x8: {  	s31 =	simm.s32 $0x1D880;
	s4 =	sand.u32 $0x1, s4;
	s8 =	sshll.u32 s2, $0x1  }
0x9: {  	[smem:$0x7FF] =	sst s7;
	s13 =	sadd.s32 $0x1A00, s1;
	s25 =	sor.u32 s4, s8  }
0xa: {  	s4 =	ssub.s32 $0x2, s4;
	_ =	strace $0x8000004A;
	s11 =	smul.u32 $0x88, s25  }
0xb: {  	s24 =	sshrl.u32 s4, $0x1;
	s17 =	sadd.s32 $0xFFFFFFFF, s25;
	p1 =	seq.s32 s25, $0x0  }
0xc: {  	p2 =	sne.s32 s25, $0x1F;
	s25 =	simm.s32 $0x3980;
	s4 =	ssub.s32 s4, s24  }
0xd: {  	p0 =	sgt.u32 s17, $0x1D;
	s17 =	simm.s32 $0x2;
	s24 =	simm.s32 $0x3180  }
0xe: {  	s9 =	sadd.s32 $0xFFFFFF78, s11;
	s12 =	sadd.s32 $0xFFFFFFB8, s11;
	s11 =	sadd.s32 $0xFFFFFFF8, s11  }
0xf: {  	s16 =	smax.u32 s4, $0x1;
	s4 =	simm.s32 $0x0;
	s26 =	sshrl.u32 s9, $0x3  }
.Ltmp0:
0x10: {  	s9 =	sshll.u32 s9, $0x5;
	s10 =	sshrl.u32 s12, $0x3;
	(pc) =	sbr.rel .LBB2_1-.Ltmp0, $4  }
0x11: {  	s12 =	sshll.u32 s12, $0x5;
	s14 =	sshrl.u32 s11, $0x3;
	s15 =	sshll.u32 s11, $0x5  }
0x12: {  	v2 =	vlaneseq.u32;
	s8 =	sadd.s32 s0, s26;
	s9 =	sadd.s32 s13, s9;
	s10 =	sadd.s32 s0, s10  }
0x13: {  	vm0 =	vmmov $0xffff;
	v1 =	vshrl.u32 v2, $0x3;
	v0 =	vand.u32 $0x7, v2;
	s11 =	sadd.s32 s13, s12;
	s12 =	sadd.s32 s0, s14;
	s13 =	sadd.s32 s13, s15  }
0x14: {  	v2 =	vor.u32 $0x8, v2;
	v1 =	vmul.u32 $0x8, v1;
	vm1 =	vmmov @!p2 $0xffff;
	s14 =	sadd.s32 $0x1FE, s0;
	s15 =	sadd.s32 $0x21800, s1;
	s26 =	simm.s32 $0x1  }
.LBB2_3:
.Ltmp1:
0x15: {  	(pc) =	sbr.rel @p1 .LBB2_5-.Ltmp1, $1  }
0x16: {  	_ =	sdelay $0x3  }
0x17: {  	s1 =	simm.s32 @!p2 $0x0;
	s2 =	simm.s32 @!p2 $0x100  }
0x18: {  	[tilespmem:s2], [sflag:$0x2] =	stream.linear.gather @!p2 [hbm4b:s14+s1], $0x10, $0x38;
	[tilespmem:$0x1E880] =	vst v63  }
0x19: {  	s2 =	simm.s32 @!p2 $0x2  }
0x1a: {  	_ =	swait.ge @!p2 [sflag:s2], $0x10  }
0x1b: {  	[sflag:s2] =	ssyncset.done @!p2 $0x0  }
0x1c: {  	s3 =	simm.s32 @!p2 $0x180;
	[sflag:s2] =	ssyncadd.s32 @!p2 $0xFFFFFFF0  }
0x1d: {  	[tilespmem:s3], [sflag:$0x2] =	stream.linear.gather @!p2 [hbm4b:s15+s1], $0x1000, $0x38;
	[tilespmem:$0x1E880] =	vst v63  }
0x1e: {  	_ =	swait.ge @!p2 [sflag:s2], $0x1000  }
0x1f: {  	[sflag:s2] =	ssyncset.done @!p2 $0x0  }
0x20: {  	[sflag:s2] =	ssyncadd.s32 @!p2 $0xFFFFF000  }
0x21: {  	v3 =	vld @!p2 [tilespmem:$0x100];
	_ =	sdelay $0x4  }
0x22: {  	v4 =	vshll.u32 @!p2 v3, $0x1  }
0x23: {  	v5 =	vlaneseq.u32 @!p2;
	v3 =	vand.u32 @!p2 $0x7, v3;
	v4 =	vand.u32 @!p2 $0xFFFFFFF0, v4  }
0x24: {  	v6 =	vshrl.u32 @!p2 v5, $0x3;
	v3 =	vor.u32 @!p2 v3, v4;
	v4 =	vand.u32 @!p2 $0x7, v5  }
0x25: {  	v6 =	vmul.u32 @!p2 $0x8, v6;
	v4 =	vperm.xlane @!p2 v3, v4  }
0x26: {  	v5 =	vor.u32 @!p2 $0x8, v5  }
0x27: {  	v3 =	vperm.xlane @!p2 v3, v5;
	v4 =	vadd.s32 @!p2 v6, v4;
	_ =	sdelay $0x1  }
0x28: {  	v3 =	vadd.s32 @!p2 v6, v3;
	_ =	sdelay $0x2  }
0x29: {  	[hbm4b:s5+s1] =	stream.indirect_vreg.scatter @!p2 [tilespmem:s3], [sflag:$0x1], $0x80, v4, vm1, $0xb8;
	[tilespmem:$0x1E880] =	vst v63  }
0x2a: {  	s2 =	simm.s32 @!p2 $0x980  }
0x2b: {  	[hbm4b:s5+s1] =	stream.indirect_vreg.scatter @!p2 [tilespmem:s2], [sflag:$0x1], $0x80, v3, vm1, $0xb8;
	[tilespmem:$0x1E880] =	vst v63  }
0x2c: {  	s1 =	simm.s32 @!p2 $0x1  }
0x2d: {  	_ =	swait.ge @!p2 [sflag:s1], $0x1000  }
0x2e: {  	[sflag:s1] =	ssyncset.done @!p2 $0x0  }
0x2f: {  	[sflag:s1] =	ssyncadd.s32 @!p2 $0xFFFFF000  }
.LBB2_8:
0x30: {  	s4 =	sadd.s32 $0x1, s4  }
0x31: {  	p3 =	sne.s32 s4, s16  }
.Ltmp2:
0x32: {  	_ = 	snop;
	(pc) =	sbr.rel @!p3 .LBB2_9-.Ltmp2, $1  }
0x33: {  	_ =	sdelay $0x3  }
.LBB2_1:
.Ltmp3:
0x34: {  	(pc) =	sbr.rel @p0 .LBB2_3-.Ltmp3, $1  }
0x35: {  	_ =	sdelay $0x3  }
0x36: {  	[tilespmem:s7], [sflag:$0x2] =	stream.linear.gather [hbm4b:s8+s7], $0x40, $0x38;
	[tilespmem:$0x1E880] =	vst v63  }
0x37: {  	_ =	swait.ge [sflag:s17], $0x40  }
0x38: {  	[sflag:s17] =	ssyncset.done $0x0  }
0x39: {  	[sflag:s17] =	ssyncadd.s32 $0xFFFFFFC0  }
0x3a: {  	[tilespmem:s18], [sflag:$0x2] =	stream.linear.gather [hbm4b:s9+s7], $0x4000, $0x38;
	[tilespmem:$0x1E880] =	vst v63  }
0x3b: {  	_ =	swait.ge [sflag:s17], $0x4000  }
0x3c: {  	[sflag:s17] =	ssyncset.done $0x0  }
0x3d: {  	[sflag:s17] =	ssyncadd.s32 $0xFFFFC000  }
0x3e: {  	v3 =	vld [tilespmem:$0x0];
	_ =	sdelay $0x4  }
0x3f: {  	v4 =	vshll.u32 v3, $0x1  }
0x40: {  	v3 =	vand.u32 $0x7, v3;
	v4 =	vand.u32 $0xFFFFFFF0, v4  }
0x41: {  	v3 =	vor.u32 v3, v4  }
0x42: {  	v4 =	vperm.xlane v3, v0;
	_ =	sdelay $0x1  }
0x43: {  	v3 =	vperm.xlane v3, v2;
	v4 =	vadd.s32 v1, v4;
	_ =	sdelay $0x1  }
0x44: {  	v3 =	vadd.s32 v1, v3;
	_ =	sdelay $0x2  }
0x45: {  	[hbm4b:s5+s7] =	stream.indirect_vreg.scatter [tilespmem:s18], [sflag:$0x1], $0x80, v4, vm0, $0xb8;
	[tilespmem:$0x1E880] =	vst v63  }
0x46: {  	_ = 	snop  }
0x47: {  	[hbm4b:s5+s7] =	stream.indirect_vreg.scatter [tilespmem:s19], [sflag:$0x1], $0x80, v3, vm0, $0xb8;
	[tilespmem:$0x1E880] =	vst v63  }
0x48: {  	v3 =	vld [tilespmem:$0x10];
	_ =	sdelay $0x4  }
0x49: {  	v56 =	vshll.u32 v3, $0x1  }
0x4a: {  	v3 =	vand.u32 $0x7, v3;
	v4 =	vand.u32 $0xFFFFFFF0, v56  }
0x4b: {  	v3 =	vor.u32 v3, v4  }
0x4c: {  	v4 =	vperm.xlane v3, v0;
	_ =	sdelay $0x1  }
0x4d: {  	v3 =	vperm.xlane v3, v2;
	v4 =	vadd.s32 v1, v4;
	_ =	sdelay $0x1  }
0x4e: {  	v3 =	vadd.s32 v1, v3;
	_ =	sdelay $0x2  }
0x4f: {  	[hbm4b:s5+s7] =	stream.indirect_vreg.scatter [tilespmem:s20], [sflag:$0x1], $0x80, v4, vm0, $0xb8;
	[tilespmem:$0x1E880] =	vst v63  }
0x50: {  	_ = 	snop  }
0x51: {  	[hbm4b:s5+s7] =	stream.indirect_vreg.scatter [tilespmem:s21], [sflag:$0x1], $0x80, v3, vm0, $0xb8;
	[tilespmem:$0x1E880] =	vst v63  }
0x52: {  	v3 =	vld [tilespmem:$0x20];
	_ =	sdelay $0x4  }
0x53: {  	v57 =	vshll.u32 v3, $0x1  }
0x54: {  	v3 =	vand.u32 $0x7, v3;
	v4 =	vand.u32 $0xFFFFFFF0, v57  }
0x55: {  	v3 =	vor.u32 v3, v4  }
0x56: {  	v4 =	vperm.xlane v3, v0;
	_ =	sdelay $0x1  }
0x57: {  	v3 =	vperm.xlane v3, v2;
	v4 =	vadd.s32 v1, v4;
	_ =	sdelay $0x1  }
0x58: {  	v3 =	vadd.s32 v1, v3;
	_ =	sdelay $0x2  }
0x59: {  	[hbm4b:s5+s7] =	stream.indirect_vreg.scatter [tilespmem:s22], [sflag:$0x1], $0x80, v4, vm0, $0xb8;
	[tilespmem:$0x1E880] =	vst v63  }
0x5a: {  	_ = 	snop  }
0x5b: {  	[hbm4b:s5+s7] =	stream.indirect_vreg.scatter [tilespmem:s23], [sflag:$0x1], $0x80, v3, vm0, $0xb8;
	[tilespmem:$0x1E880] =	vst v63  }
0x5c: {  	v3 =	vld [tilespmem:$0x30];
	_ =	sdelay $0x4  }
0x5d: {  	v58 =	vshll.u32 v3, $0x1  }
0x5e: {  	v3 =	vand.u32 $0x7, v3;
	v4 =	vand.u32 $0xFFFFFFF0, v58  }
0x5f: {  	v3 =	vor.u32 v3, v4  }
0x60: {  	v4 =	vperm.xlane v3, v0;
	_ =	sdelay $0x1  }
0x61: {  	v3 =	vperm.xlane v3, v2;
	v4 =	vadd.s32 v1, v4;
	_ =	sdelay $0x1  }
0x62: {  	v3 =	vadd.s32 v1, v3;
	_ =	sdelay $0x2  }
0x63: {  	[hbm4b:s5+s7] =	stream.indirect_vreg.scatter [tilespmem:s24], [sflag:$0x1], $0x80, v4, vm0, $0xb8;
	[tilespmem:$0x1E880] =	vst v63  }
0x64: {  	_ = 	snop  }
0x65: {  	[hbm4b:s5+s7] =	stream.indirect_vreg.scatter [tilespmem:s25], [sflag:$0x1], $0x80, v3, vm0, $0xb8;
	[tilespmem:$0x1E880] =	vst v63  }
0x66: {  	_ =	swait.ge [sflag:s26], $0x4000  }
0x67: {  	[sflag:s26] =	ssyncset.done $0x0  }
0x68: {  	[sflag:s26] =	ssyncadd.s32 $0xFFFFC000  }
0x69: {  	[tilespmem:s7], [sflag:$0x2] =	stream.linear.gather [hbm4b:s10+s7], $0x40, $0x38;
	[tilespmem:$0x1E880] =	vst v63  }
0x6a: {  	_ =	swait.ge [sflag:s17], $0x40  }
0x6b: {  	[sflag:s17] =	ssyncset.done $0x0  }
0x6c: {  	[sflag:s17] =	ssyncadd.s32 $0xFFFFFFC0  }
0x6d: {  	[tilespmem:s18], [sflag:$0x2] =	stream.linear.gather [hbm4b:s11+s7], $0x4000, $0x38;
	[tilespmem:$0x1E880] =	vst v63  }
0x6e: {  	_ =	swait.ge [sflag:s17], $0x4000  }
0x6f: {  	[sflag:s17] =	ssyncset.done $0x0  }
0x70: {  	[sflag:s17] =	ssyncadd.s32 $0xFFFFC000  }
0x71: {  	v3 =	vld [tilespmem:$0x0];
	_ =	sdelay $0x4  }
0x72: {  	v59 =	vshll.u32 v3, $0x1  }
0x73: {  	v3 =	vand.u32 $0x7, v3;
	v4 =	vand.u32 $0xFFFFFFF0, v59  }
0x74: {  	v3 =	vor.u32 v3, v4  }
0x75: {  	v4 =	vperm.xlane v3, v0;
	_ =	sdelay $0x1  }
0x76: {  	v3 =	vperm.xlane v3, v2;
	v4 =	vadd.s32 v1, v4;
	_ =	sdelay $0x1  }
0x77: {  	v3 =	vadd.s32 v1, v3;
	_ =	sdelay $0x2  }
0x78: {  	[hbm4b:s5+s7] =	stream.indirect_vreg.scatter [tilespmem:s18], [sflag:$0x1], $0x80, v4, vm0, $0xb8;
	[tilespmem:$0x1E880] =	vst v63  }
0x79: {  	_ = 	snop  }
0x7a: {  	[hbm4b:s5+s7] =	stream.indirect_vreg.scatter [tilespmem:s19], [sflag:$0x1], $0x80, v3, vm0, $0xb8;
	[tilespmem:$0x1E880] =	vst v63  }
0x7b: {  	v3 =	vld [tilespmem:$0x10];
	_ =	sdelay $0x4  }
0x7c: {  	v60 =	vshll.u32 v3, $0x1  }
0x7d: {  	v3 =	vand.u32 $0x7, v3;
	v4 =	vand.u32 $0xFFFFFFF0, v60  }
0x7e: {  	v3 =	vor.u32 v3, v4  }
0x7f: {  	v4 =	vperm.xlane v3, v0;
	_ =	sdelay $0x1  }
0x80: {  	v3 =	vperm.xlane v3, v2;
	v4 =	vadd.s32 v1, v4;
	_ =	sdelay $0x1  }
0x81: {  	v3 =	vadd.s32 v1, v3;
	_ =	sdelay $0x2  }
0x82: {  	[hbm4b:s5+s7] =	stream.indirect_vreg.scatter [tilespmem:s20], [sflag:$0x1], $0x80, v4, vm0, $0xb8;
	[tilespmem:$0x1E880] =	vst v63  }
0x83: {  	_ = 	snop  }
0x84: {  	[hbm4b:s5+s7] =	stream.indirect_vreg.scatter [tilespmem:s21], [sflag:$0x1], $0x80, v3, vm0, $0xb8;
	[tilespmem:$0x1E880] =	vst v63  }
0x85: {  	v3 =	vld [tilespmem:$0x20];
	_ =	sdelay $0x4  }
0x86: {  	v61 =	vshll.u32 v3, $0x1  }
0x87: {  	v3 =	vand.u32 $0x7, v3;
	v4 =	vand.u32 $0xFFFFFFF0, v61  }
0x88: {  	v3 =	vor.u32 v3, v4  }
0x89: {  	v4 =	vperm.xlane v3, v0;
	_ =	sdelay $0x1  }
0x8a: {  	v3 =	vperm.xlane v3, v2;
	v4 =	vadd.s32 v1, v4;
	_ =	sdelay $0x1  }
0x8b: {  	v3 =	vadd.s32 v1, v3;
	_ =	sdelay $0x2  }
0x8c: {  	[hbm4b:s5+s7] =	stream.indirect_vreg.scatter [tilespmem:s22], [sflag:$0x1], $0x80, v4, vm0, $0xb8;
	[tilespmem:$0x1E880] =	vst v63  }
0x8d: {  	_ = 	snop  }
0x8e: {  	[hbm4b:s5+s7] =	stream.indirect_vreg.scatter [tilespmem:s23], [sflag:$0x1], $0x80, v3, vm0, $0xb8;
	[tilespmem:$0x1E880] =	vst v63  }
0x8f: {  	v3 =	vld [tilespmem:$0x30];
	_ =	sdelay $0x4  }
0x90: {  	v62 =	vshll.u32 v3, $0x1  }
0x91: {  	v3 =	vand.u32 $0x7, v3;
	v4 =	vand.u32 $0xFFFFFFF0, v62  }
0x92: {  	v3 =	vor.u32 v3, v4  }
0x93: {  	v4 =	vperm.xlane v3, v0;
	_ =	sdelay $0x1  }
0x94: {  	v3 =	vperm.xlane v3, v2;
	v4 =	vadd.s32 v1, v4;
	_ =	sdelay $0x1  }
0x95: {  	v3 =	vadd.s32 v1, v3;
	_ =	sdelay $0x2  }
0x96: {  	[hbm4b:s5+s7] =	stream.indirect_vreg.scatter [tilespmem:s24], [sflag:$0x1], $0x80, v4, vm0, $0xb8;
	[tilespmem:$0x1E880] =	vst v63  }
0x97: {  	_ = 	snop  }
0x98: {  	[hbm4b:s5+s7] =	stream.indirect_vreg.scatter [tilespmem:s25], [sflag:$0x1], $0x80, v3, vm0, $0xb8;
	[tilespmem:$0x1E880] =	vst v63  }
0x99: {  	_ =	swait.ge [sflag:s26], $0x4000  }
0x9a: {  	[sflag:s26] =	ssyncset.done $0x0  }
0x9b: {  	[sflag:s26] =	ssyncadd.s32 $0xFFFFC000  }
0x9c: {  	[tilespmem:s28], [sflag:$0x2] =	stream.linear.gather [hbm4b:s12+s7], $0x8, $0x38;
	[tilespmem:$0x1E880] =	vst v63  }
0x9d: {  	_ =	swait.ge [sflag:s17], $0x8  }
0x9e: {  	[sflag:s17] =	ssyncset.done $0x0  }
0x9f: {  	[sflag:s17] =	ssyncadd.s32 $0xFFFFFFF8  }
0xa0: {  	[tilespmem:s18], [sflag:$0x2] =	stream.linear.gather [hbm4b:s13+s7], $0x800, $0x38;
	[tilespmem:$0x1E880] =	vst v63  }
0xa1: {  	_ =	swait.ge [sflag:s17], $0x800  }
0xa2: {  	[sflag:s17] =	ssyncset.done $0x0  }
0xa3: {  	[sflag:s17] =	ssyncadd.s32 $0xFFFFF800  }
0xa4: {  	v3 =	vld.msk [tilespmem:$0x80], $0xff;
	_ =	sdelay $0x4  }
0xa5: {  	v63 =	vshll.u32 v3, $0x1  }
0xa6: {  	v3 =	vand.u32 $0x7, v3;
	v4 =	vand.u32 $0xFFFFFFF0, v63  }
0xa7: {  	v3 =	vor.u32 v3, v4  }
0xa8: {  	v3 =	vperm.xlane v3, v0;
	_ =	sdelay $0x1  }
0xa9: {  	v3 =	vadd.s32 v1, v3;
	_ =	sdelay $0x3  }
.Ltmp4:
0xaa: {  	_ = 	snop;
	(pc) =	sbr.rel .LBB2_3-.Ltmp4, $4  }
0xab: {  	[hbm4b:s5+s7] =	stream.indirect_vreg.scatter [tilespmem:s18], [sflag:$0x1], $0x80, v3, vm0, $0xb8;
	[tilespmem:$0x1E880] =	vst v63  }
0xac: {  	_ =	swait.ge [sflag:s26], $0x800  }
0xad: {  	[sflag:s26] =	ssyncset.done $0x0  }
0xae: {  	[sflag:s26] =	ssyncadd.s32 $0xFFFFF800  }
.LBB2_5:
0xaf: {  	s1 =	simm.s32 $0x0;
	s2 =	rddreg [dreg:$0x3]  }
0xb0: {  	[tilespmem:s29], [sflag:$0x2] =	stream.linear.gather [hbm4b:s2+s1], $0x18700, $0x38;
	[tilespmem:$0x1E880] =	vst v63  }
0xb1: {  	_ =	swait.ge [sflag:s17], $0x18700  }
0xb2: {  	[sflag:s17] =	ssyncset.done $0x0  }
0xb3: {  	[sflag:s17] =	ssyncadd.s32 $0xFFFE7900  }
0xb4: {  	[tilespmem:s30], [sflag:$0x2] =	stream.linear.gather [hbm4b:s0+s1], $0x1000, $0x38;
	[tilespmem:$0x1E880] =	vst v63  }
0xb5: {  	_ =	swait.ge [sflag:s17], $0x1000  }
0xb6: {  	[sflag:s17] =	ssyncset.done $0x0  }
0xb7: {  	[sflag:s17] =	ssyncadd.s32 $0xFFFFF000  }
0xb8: {  	s3 =	rddreg [dreg:$0x2]  }
0xb9: {  	[tilespmem:s31], [sflag:$0x2] =	stream.linear.gather [hbm4b:s3+s1], $0x1000, $0x38;
	[tilespmem:$0x1E880] =	vst v63  }
0xba: {  	_ =	swait.ge [sflag:s17], $0x1000  }
0xbb: {  	[sflag:s17] =	ssyncset.done $0x0  }
0xbc: {  	[sflag:s17] =	ssyncadd.s32 $0xFFFFF000  }
.LBB2_6:
0xbd: {  	s2 =	sshra.s32 s1, $0x2  }
0xbe: {  	v3 =	vld [tilespmem:s2+$0x1C880];
	_ =	sdelay $0x2  }
0xbf: {  	v4 =	vld [tilespmem:s2+$0x1D880];
	_ =	sdelay $0x4  }
0xc0: {  	[tilespmem:v3+s29+$0x0] =	vst.idx.msk $0xffff, v4  }
0xc1: {  	v3 =	vld [tilespmem:s2+$0x1C890];
	_ =	sdelay $0x2  }
0xc2: {  	v4 =	vld [tilespmem:s2+$0x1D890];
	_ =	sdelay $0x4  }
0xc3: {  	[tilespmem:v3+s29+$0x0] =	vst.idx.msk $0xffff, v4  }
0xc4: {  	v3 =	vld [tilespmem:s2+$0x1C8A0];
	_ =	sdelay $0x2  }
0xc5: {  	v4 =	vld [tilespmem:s2+$0x1D8A0];
	_ =	sdelay $0x4  }
0xc6: {  	[tilespmem:v3+s29+$0x0] =	vst.idx.msk $0xffff, v4  }
0xc7: {  	v3 =	vld [tilespmem:s2+$0x1C8B0];
	_ =	sdelay $0x2  }
0xc8: {  	p3 =	sne.s32 s1, $0x3F00;
	v4 =	vld [tilespmem:s2+$0x1D8B0]  }
.Ltmp5:
0xc9: {  	_ = 	snop;
	(pc) =	sbr.rel @p3 .LBB2_6-.Ltmp5, $2  }
0xca: {  	_ =	sdelay $0x2  }
0xcb: {  	s1 =	sadd.s32 $0x100, s1;
	[tilespmem:v3+s29+$0x0] =	vst.idx.msk $0xffff, v4  }
.Ltmp6:
0xcc: {  	(pc) =	sbr.rel .LBB2_8-.Ltmp6, $4  }
0xcd: {  	[hbm4b:s6+s7] =	stream.linear.scatter [tilespmem:s29], [sflag:$0x2], $0x18700, $0x38;
	[tilespmem:$0x1E880] =	vst v63  }
0xce: {  	_ =	swait.ge [sflag:s17], $0x18700  }
0xcf: {  	[sflag:s17] =	ssyncset.done $0x0  }
0xd0: {  	[sflag:s17] =	ssyncadd.s32 $0xFFFE7900  }
.LBB2_9:
0xd1: {  	_ =	sfence.sel $0x180000  }
0xd2: {  	[bflag:$0x0] =	sbarrier.arrive $0xFFFF  }
0xd3: {  	_ =	strace $0x9000004A  }
0xd4: {  	s0 =	stileid.u32;
	[bflag:$0x2] =	sbarrier.arrive $0xFFFF  }
0xd5: {  	p0 =	sne.s32 s0, $0x0;
	s0 =	rddreg [dreg:$0x6]  }
0xd6: {  	s0 =	sadd.s32 @!p0 $0x100000, s0  }
0xd7: {  	[sflag:s0] =	ssyncadd.tile.s32 @!p0 $0x1;
	_ =	shalt  }
.Lfunc_end2:
_tile_overlayer_lowered:
.L_overlay_start_2:
0xd8: {  	(tag) =	ssettag $0x2  }
0xd9: {  	s0 =	rddreg [dreg:$0x0];
	s2 =	stileid.u32  }
0xda: {  	s1 =	rddreg [dreg:$0x1];
	p0 =	sne.s32 s2, $0x0  }
0xdb: {  	s3 =	rddreg [dreg:$0x2];
	[bflag:$0x3] =	sbarrier.arrive $0xFFFF;
	s2 =	simm.s32 @!p0 $0x1C02  }
0xdc: {  	[timem:s3], [sflag:s2] =	dma.local @!p0 [hbm:s0], s1  }
0xdd: {  	s0 =	simm.s32 @!p0 $0x2  }
0xde: {  	_ =	swait.ge @!p0 [sflag:s0], s1  }
0xdf: {  	s1 =	ssub.s32 @!p0 $0x0, s1;
	[sflag:s0] =	ssyncset.done @!p0 $0x0  }
0xe0: {  	[sflag:s0] =	ssyncadd.s32 @!p0 s1  }
0xe1: {  	[bflag:$0x3] =	sbarrier.arrive $0xFFFF  }
0xe2: {  	_ =	shalt  }

</sc_bundles>
